<compile_context>
chip_gen: v7x
topology: tpu7x:2x2x1
jax: 0.10.2.dev20260603
libtpu: 0.0.44.dev20260713+nightly
codegen_flags: <defaults>
</compile_context>

<pallas_src>
import functools

import jax
import jax.numpy as jnp
from jax import lax
from jax.experimental import pallas as pl
from jax.experimental.pallas import tpu as pltpu
from jax.experimental.pallas import tpu_sc as plsc

DIM = 128
HALF = DIM // 2
B = 4096
NUM_NEG = 64
RPB = 2 * NUM_NEG
NW = 32
BS = B // NW
LANES = 16
PCOLS = NUM_NEG * LANES
REGULARIZER = 0.01


def _sc_body(ent_hbm, negidx_hbm, relidx_hbm, reltab_hbm,
             part_hbm, relvec_hbm,
             idx_v, relidx_v, rel_v, rows0_v, rows1_v, part0_v, part1_v,
             sem_rel, sem_r0, sem_r1, sem_p0, sem_p1):
    c = lax.axis_index("c")
    s = lax.axis_index("s")
    wid = s * 2 + c
    base = wid * BS

    pltpu.sync_copy(negidx_hbm.at[pl.ds(base, BS)], idx_v.at[pl.ds(0, BS)])
    for k in range(RPB // 16):
        idx_v[BS, pl.ds(k * 16, 16)] = jnp.zeros((16,), jnp.int32)
    pltpu.sync_copy(relidx_hbm.at[pl.ds(base, BS)], relidx_v)
    pltpu.async_copy(reltab_hbm.at[relidx_v], rel_v, sem_rel).wait()
    pltpu.sync_copy(rel_v, relvec_hbm.at[pl.ds(base, BS)])

    rows = (rows0_v, rows1_v)
    rsem = (sem_r0, sem_r1)
    part = (part0_v, part1_v)
    psem = (sem_p0, sem_p1)

    pltpu.async_copy(ent_hbm.at[idx_v.at[0]], rows0_v, sem_r0)

    def g_body(g, carry):
        for p in (0, 1):
            b = 2 * g + p
            pltpu.async_copy(ent_hbm.at[idx_v.at[b + 1]], rows[1 - p],
                             rsem[1 - p])
            pltpu.make_async_copy(ent_hbm.at[idx_v.at[b]], rows[p],
                                  rsem[p]).wait()

            @pl.when(g > 0)
            def _():
                pltpu.make_async_copy(part[p], part_hbm.at[base + b - 2],
                                      psem[p]).wait()

            rows_v = rows[p]
            part_v = part[p]
            rel = [rel_v[b, pl.ds(k * 16, 16)] for k in range(8)]

            @plsc.parallel_loop(0, NUM_NEG, unroll=2)
            def j_body(j):
                terms = []
                for k in range(4):
                    hr = rows_v[2 * j, pl.ds(k * 16, 16)]
                    hi = rows_v[2 * j, pl.ds((k + 4) * 16, 16)]
                    tr = rows_v[2 * j + 1, pl.ds(k * 16, 16)]
                    ti = rows_v[2 * j + 1, pl.ds((k + 4) * 16, 16)]
                    a = hr * tr + hi * ti
                    cc = hr * ti - hi * tr
                    terms.append(rel[k] * a + rel[k + 4] * cc)
                part_v[pl.ds(j * 16, 16)] = ((terms[0] + terms[1])
                                             + (terms[2] + terms[3]))

            pltpu.async_copy(part_v, part_hbm.at[base + b], psem[p])
        return carry

    lax.fori_loop(0, BS // 2, g_body, 0)
    pltpu.make_async_copy(part0_v, part_hbm.at[base + BS - 2], sem_p0).wait()
    pltpu.make_async_copy(part1_v, part_hbm.at[base + BS - 1], sem_p1).wait()
    pltpu.make_async_copy(ent_hbm.at[idx_v.at[BS]], rows0_v, sem_r0).wait()


_sc_call = functools.partial(
    pl.kernel,
    mesh=plsc.VectorSubcoreMesh(core_axis_name="c", subcore_axis_name="s"),
    out_type=[
        jax.ShapeDtypeStruct((B, PCOLS), jnp.float32),
        jax.ShapeDtypeStruct((B, DIM), jnp.float32),
    ],
    scratch_types=[
        pltpu.VMEM((BS + 1, RPB), jnp.int32),
        pltpu.VMEM((BS,), jnp.int32),
        pltpu.VMEM((BS, DIM), jnp.float32),
        pltpu.VMEM((RPB, DIM), jnp.float32),
        pltpu.VMEM((RPB, DIM), jnp.float32),
        pltpu.VMEM((PCOLS,), jnp.float32),
        pltpu.VMEM((PCOLS,), jnp.float32),
        pltpu.SemaphoreType.DMA,
        pltpu.SemaphoreType.DMA,
        pltpu.SemaphoreType.DMA,
        pltpu.SemaphoreType.DMA,
        pltpu.SemaphoreType.DMA,
    ],
)(_sc_body)


def _tc_body(heads_ref, tails_ref, relv_ref, part_ref, out_ref):
    h = heads_ref[...]
    t = tails_ref[...]
    r = relv_ref[...]
    hr, hi = h[:, :HALF], h[:, HALF:]
    tr, ti = t[:, :HALF], t[:, HALF:]
    rr, ri = r[:, :HALF], r[:, HALF:]
    pos = jnp.sum(rr * hr * tr + rr * hi * ti + ri * hr * ti - ri * hi * tr,
                  axis=-1)
    reg = (jnp.mean(h * h) + jnp.mean(t * t) + jnp.mean(r * r)) / 3.0

    row = lax.broadcasted_iota(jnp.int32, (PCOLS, NUM_NEG), 0)
    col = lax.broadcasted_iota(jnp.int32, (PCOLS, NUM_NEG), 1)
    fold = jnp.where(row // LANES == col, 1.0, 0.0).astype(jnp.float32)
    ns = jnp.dot(part_ref[...], fold, preferred_element_type=jnp.float32)

    def softplus(x):
        return jnp.maximum(x, 0.0) + jnp.log1p(jnp.exp(-jnp.abs(x)))

    model = (jnp.mean(softplus(-pos)) + jnp.mean(softplus(ns))) / 2.0
    out_ref[...] = jnp.full((1, 1), model + REGULARIZER * reg, jnp.float32)


def kernel(ent_embs, rel_table, rels, neg_idx):
    ent_flat = ent_embs.reshape(2 * B, DIM)
    negidx = neg_idx.astype(jnp.int32).reshape(B, RPB)
    relidx = rels.astype(jnp.int32).reshape(B)
    partials, rel_vecs = _sc_call(ent_flat, negidx, relidx, rel_table)
    heads = ent_embs[:, 0, :]
    tails = ent_embs[:, 1, :]
    out = pl.pallas_call(
        _tc_body,
        out_shape=jax.ShapeDtypeStruct((1, 1), jnp.float32),
    )(heads, tails, rel_vecs, partials)
    return out[0, 0]

# --- scband reference (transcript-rebuilt; emitter-appended) ---
"""Pipeline reference for scband-link-prediction-81801947119642 (READ-ONLY COPY).

The authoritative reference and input builder live on the scoring server;
editing this copy changes nothing except your own understanding.
"""

import jax, jax.numpy as jnp
import numpy as np

DIM = 128
NUM_RELATIONS = 1000
REGULARIZER = 0.01


def complex_score(heads, tails, rels):
    heads_re, heads_im = jnp.split(heads, 2, axis=-1)
    tails_re, tails_im = jnp.split(tails, 2, axis=-1)
    rels_re, rels_im = jnp.split(rels, 2, axis=-1)
    return jnp.sum(rels_re * heads_re * tails_re
                   + rels_re * heads_im * tails_im
                   + rels_im * heads_re * tails_im
                   - rels_im * heads_im * tails_re, axis=-1)


def l2_regularization(heads, tails, rels):
    reg_loss = 0.0
    for t in (heads, tails, rels):
        reg_loss = reg_loss + jnp.mean(t ** 2)
    return reg_loss / 3.0


def nll_loss(pos_scores, neg_scores):
    return (jnp.mean(jax.nn.softplus(-pos_scores)) + jnp.mean(jax.nn.softplus(neg_scores))) / 2


def setup_inputs(seed: int = 0) -> dict:
    key = jax.random.key(seed)
    k1, k2, k3, k4 = jax.random.split(key, 4)
    B = 4096
    ent_embs = jax.random.normal(k1, (B, 2, DIM), dtype=jnp.float32)
    rels = jax.random.randint(k2, (B, 1), 0, NUM_RELATIONS, dtype=jnp.int64)
    neg_idx = jax.random.randint(k3, (B, 64, 2), 0, B * 2, dtype=jnp.int64)
    # learned parameter: relation embedding table (xavier uniform)
    limit = float(np.sqrt(6.0 / (NUM_RELATIONS + DIM)))
    rel_table = jax.random.uniform(k4, (NUM_RELATIONS, DIM), dtype=jnp.float32,
                                   minval=-limit, maxval=limit)
    return {"ent_embs": ent_embs, "rel_table": rel_table, "rels": rels, "neg_idx": neg_idx}


def reference(ent_embs, rel_table, rels, neg_idx):
    batch_size = ent_embs.shape[0]
    # embedding lookup for relations: [B, 1, DIM]
    rel_vecs = jnp.take(rel_table, rels, axis=0)
    heads, tails = jnp.split(ent_embs, 2, axis=1)  # each [B, 1, DIM]
    pos_scores = complex_score(heads, tails, rel_vecs)  # [B, 1]
    reg_loss = REGULARIZER * l2_regularization(heads, tails, rel_vecs)
    # gather negative entity embeddings: [B, num_neg, 2, DIM]
    flat = ent_embs.reshape(batch_size * 2, -1)
    neg_embs = jnp.take(flat, neg_idx, axis=0)
    h_n, t_n = jnp.split(neg_embs, 2, axis=2)  # [B, num_neg, 1, DIM]
    h_n = jnp.squeeze(h_n, axis=2)
    t_n = jnp.squeeze(t_n, axis=2)
    neg_scores = complex_score(h_n, t_n, rel_vecs)  # broadcast -> [B, num_neg]
    model_loss = nll_loss(pos_scores, neg_scores)
    return model_loss + reg_loss

if __name__ == "__main__":
    import jax
    _d = setup_inputs()
    print(jax.jit(kernel)(*tuple(_d.values())))

</pallas_src>

<mosaic_0001>
#map = affine_map<(d0, d1) -> (0, 0)>
#map1 = affine_map<(d0, d1) -> (0)>
module attributes {stable_mosaic.version = 14 : i64} {
  func.func @_sc_body(%arg0: i32, %arg1: i32, %arg2: memref<8192x128xf32, #tpu.memory_space<hbm>>, %arg3: memref<4096x128xi32, #tpu.memory_space<hbm>>, %arg4: memref<4096xi32, #tpu.memory_space<hbm>>, %arg5: memref<1000x128xf32, #tpu.memory_space<hbm>>, %arg6: memref<4096x1024xf32, #tpu.memory_space<hbm>>, %arg7: memref<4096x128xf32, #tpu.memory_space<hbm>>, %arg8: memref<129x128xi32, #tpu.memory_space<vmem>>, %arg9: memref<128xi32, #tpu.memory_space<vmem>>, %arg10: memref<128x128xf32, #tpu.memory_space<vmem>>, %arg11: memref<128x128xf32, #tpu.memory_space<vmem>>, %arg12: memref<128x128xf32, #tpu.memory_space<vmem>>, %arg13: memref<1024xf32, #tpu.memory_space<vmem>>, %arg14: memref<1024xf32, #tpu.memory_space<vmem>>, %arg15: memref<!tpu.dma_semaphore, #tpu.memory_space<semaphore_mem>>, %arg16: memref<!tpu.dma_semaphore, #tpu.memory_space<semaphore_mem>>, %arg17: memref<!tpu.dma_semaphore, #tpu.memory_space<semaphore_mem>>, %arg18: memref<!tpu.dma_semaphore, #tpu.memory_space<semaphore_mem>>, %arg19: memref<!tpu.dma_semaphore, #tpu.memory_space<semaphore_mem>>) attributes {dimension_semantics = [#tpu.dimension_semantics<core_parallel>, #tpu.dimension_semantics<subcore_parallel>], iteration_bounds = array<i64: 2, 16>, scalar_prefetch = 0 : i64, scratch_operands = 12 : i64, tpu.core_type = #tpu.core_type<sc_vector_subcore>, window_params = [{transform_indices = #map}, {transform_indices = #map}, {transform_indices = #map1}, {transform_indices = #map}, {transform_indices = #map}, {transform_indices = #map}]} {
    %mul3A = arith.constant 2 : i32
    %mul3A_0 = arith.muli %arg1, %mul3A : i32
    %add3A = arith.addi %mul3A_0, %arg0 : i32
    %mul3A_1 = arith.constant 128 : i32
    %mul3A_2 = arith.muli %add3A, %mul3A_1 : i32
    "tpu.region"() ({
      %run_scoped3A = tpu.sem_alloc : memref<!tpu.dma_semaphore, #tpu.memory_space<semaphore_mem>>
      %dma_start3A_107 = arith.constant 0 : i32
      %dma_start3A_108 = arith.constant 0 : i32
      %dma_start3A_109 = tpu.memref_slice %arg8[%dma_start3A_107, %dma_start3A_108] : memref<129x128xi32, #tpu.memory_space<vmem>> -> memref<128x128xi32, #tpu.memory_space<vmem>>
      %dma_start3A_110 = arith.constant 0 : i32
      %dma_start3A_111 = tpu.memref_slice %arg3[%mul3A_2, %dma_start3A_110] : memref<4096x128xi32, #tpu.memory_space<hbm>> -> memref<128x128xi32, #tpu.memory_space<hbm>>
      %dma_start3A_112 = arith.constant 0 : i32
      %dma_start3A_113 = arith.constant 0 : i32
      %dma_start3A_114 = tpu.memref_slice %arg8[%dma_start3A_112, %dma_start3A_113] : memref<129x128xi32, #tpu.memory_space<vmem>> -> memref<128x128xi32, #tpu.memory_space<vmem>>
      %dma_start3A_115 = arith.constant 0 : i32
      %dma_start3A_116 = tpu.memref_slice %arg3[%mul3A_2, %dma_start3A_115] : memref<4096x128xi32, #tpu.memory_space<hbm>> -> memref<128x128xi32, #tpu.memory_space<hbm>>
      tpu.enqueue_dma source(%dma_start3A_116 : memref<128x128xi32, #tpu.memory_space<hbm>>) target(%dma_start3A_114 : memref<128x128xi32, #tpu.memory_space<vmem>>) target_semaphore(%run_scoped3A : memref<!tpu.dma_semaphore, #tpu.memory_space<semaphore_mem>>)
      %dma_wait3A_117 = arith.constant 0 : i32
      %dma_wait3A_118 = arith.constant 0 : i32
      %dma_wait3A_119 = tpu.memref_slice %arg8[%dma_wait3A_117, %dma_wait3A_118] : memref<129x128xi32, #tpu.memory_space<vmem>> -> memref<128x128xi32, #tpu.memory_space<vmem>>
      %dma_wait3A_120 = arith.constant 0 : i32
      %dma_wait3A_121 = tpu.memref_slice %arg3[%mul3A_2, %dma_wait3A_120] : memref<4096x128xi32, #tpu.memory_space<hbm>> -> memref<128x128xi32, #tpu.memory_space<hbm>>
      %dma_wait3A_122 = arith.constant 0 : i32
      %dma_wait3A_123 = arith.constant 0 : i32
      %dma_wait3A_124 = tpu.memref_slice %arg8[%dma_wait3A_122, %dma_wait3A_123] : memref<129x128xi32, #tpu.memory_space<vmem>> -> memref<128x128xi32, #tpu.memory_space<vmem>>
      %dma_wait3A_125 = arith.constant 0 : i32
      %dma_wait3A_126 = tpu.memref_slice %arg3[%mul3A_2, %dma_wait3A_125] : memref<4096x128xi32, #tpu.memory_space<hbm>> -> memref<128x128xi32, #tpu.memory_space<hbm>>
      tpu.wait_dma2 semaphore(%run_scoped3A : memref<!tpu.dma_semaphore, #tpu.memory_space<semaphore_mem>>) src(%dma_wait3A_126 : memref<128x128xi32, #tpu.memory_space<hbm>>) dst(%dma_wait3A_124 : memref<128x128xi32, #tpu.memory_space<vmem>>)
      tpu.yield
    }) : () -> ()
    %broadcast_in_dim3A = arith.constant 0 : i32
    %broadcast_in_dim3A_3 = vector.broadcast %broadcast_in_dim3A : i32 to vector<16xi32>
    %swap3A = arith.constant 128 : i32
    %swap3A_4 = arith.index_cast %swap3A : i32 to index
    %swap3A_5 = arith.constant 0 : index
    %swap3A_6 = tpu.vector_load %arg8[%swap3A_4, %swap3A_5] {strides = array<i32>} : memref<129x128xi32, #tpu.memory_space<vmem>>, vector<1x16xi32>,
    %swap3A_7 = vector.shape_cast %swap3A_6 : vector<1x16xi32> to vector<16xi32>
    %swap3A_8 = vector.shape_cast %broadcast_in_dim3A_3 : vector<16xi32> to vector<1x16xi32>
    tpu.vector_store %arg8[%swap3A_4, %swap3A_5], %swap3A_8 {strides = array<i32>} : memref<129x128xi32, #tpu.memory_space<vmem>>, vector<1x16xi32>,
    %broadcast_in_dim3A_9 = arith.constant 0 : i32
    %broadcast_in_dim3A_10 = vector.broadcast %broadcast_in_dim3A_9 : i32 to vector<16xi32>
    %swap3A_11 = arith.constant 128 : i32
    %swap3A_12 = arith.index_cast %swap3A_11 : i32 to index
    %swap3A_13 = arith.constant 16 : index
    %swap3A_14 = tpu.vector_load %arg8[%swap3A_12, %swap3A_13] {strides = array<i32>} : memref<129x128xi32, #tpu.memory_space<vmem>>, vector<1x16xi32>,
    %swap3A_15 = vector.shape_cast %swap3A_14 : vector<1x16xi32> to vector<16xi32>
    %swap3A_16 = vector.shape_cast %broadcast_in_dim3A_10 : vector<16xi32> to vector<1x16xi32>
    tpu.vector_store %arg8[%swap3A_12, %swap3A_13], %swap3A_16 {strides = array<i32>} : memref<129x128xi32, #tpu.memory_space<vmem>>, vector<1x16xi32>,
    %broadcast_in_dim3A_17 = arith.constant 0 : i32
    %broadcast_in_dim3A_18 = vector.broadcast %broadcast_in_dim3A_17 : i32 to vector<16xi32>
    %swap3A_19 = arith.constant 128 : i32
    %swap3A_20 = arith.index_cast %swap3A_19 : i32 to index
    %swap3A_21 = arith.constant 32 : index
    %swap3A_22 = tpu.vector_load %arg8[%swap3A_20, %swap3A_21] {strides = array<i32>} : memref<129x128xi32, #tpu.memory_space<vmem>>, vector<1x16xi32>,
    %swap3A_23 = vector.shape_cast %swap3A_22 : vector<1x16xi32> to vector<16xi32>
    %swap3A_24 = vector.shape_cast %broadcast_in_dim3A_18 : vector<16xi32> to vector<1x16xi32>
    tpu.vector_store %arg8[%swap3A_20, %swap3A_21], %swap3A_24 {strides = array<i32>} : memref<129x128xi32, #tpu.memory_space<vmem>>, vector<1x16xi32>,
    %broadcast_in_dim3A_25 = arith.constant 0 : i32
    %broadcast_in_dim3A_26 = vector.broadcast %broadcast_in_dim3A_25 : i32 to vector<16xi32>
    %swap3A_27 = arith.constant 128 : i32
    %swap3A_28 = arith.index_cast %swap3A_27 : i32 to index
    %swap3A_29 = arith.constant 48 : index
    %swap3A_30 = tpu.vector_load %arg8[%swap3A_28, %swap3A_29] {strides = array<i32>} : memref<129x128xi32, #tpu.memory_space<vmem>>, vector<1x16xi32>,
    %swap3A_31 = vector.shape_cast %swap3A_30 : vector<1x16xi32> to vector<16xi32>
    %swap3A_32 = vector.shape_cast %broadcast_in_dim3A_26 : vector<16xi32> to vector<1x16xi32>
    tpu.vector_store %arg8[%swap3A_28, %swap3A_29], %swap3A_32 {strides = array<i32>} : memref<129x128xi32, #tpu.memory_space<vmem>>, vector<1x16xi32>,
    %broadcast_in_dim3A_33 = arith.constant 0 : i32
    %broadcast_in_dim3A_34 = vector.broadcast %broadcast_in_dim3A_33 : i32 to vector<16xi32>
    %swap3A_35 = arith.constant 128 : i32
    %swap3A_36 = arith.index_cast %swap3A_35 : i32 to index
    %swap3A_37 = arith.constant 64 : index
    %swap3A_38 = tpu.vector_load %arg8[%swap3A_36, %swap3A_37] {strides = array<i32>} : memref<129x128xi32, #tpu.memory_space<vmem>>, vector<1x16xi32>,
    %swap3A_39 = vector.shape_cast %swap3A_38 : vector<1x16xi32> to vector<16xi32>
    %swap3A_40 = vector.shape_cast %broadcast_in_dim3A_34 : vector<16xi32> to vector<1x16xi32>
    tpu.vector_store %arg8[%swap3A_36, %swap3A_37], %swap3A_40 {strides = array<i32>} : memref<129x128xi32, #tpu.memory_space<vmem>>, vector<1x16xi32>,
    %broadcast_in_dim3A_41 = arith.constant 0 : i32
    %broadcast_in_dim3A_42 = vector.broadcast %broadcast_in_dim3A_41 : i32 to vector<16xi32>
    %swap3A_43 = arith.constant 128 : i32
    %swap3A_44 = arith.index_cast %swap3A_43 : i32 to index
    %swap3A_45 = arith.constant 80 : index
    %swap3A_46 = tpu.vector_load %arg8[%swap3A_44, %swap3A_45] {strides = array<i32>} : memref<129x128xi32, #tpu.memory_space<vmem>>, vector<1x16xi32>,
    %swap3A_47 = vector.shape_cast %swap3A_46 : vector<1x16xi32> to vector<16xi32>
    %swap3A_48 = vector.shape_cast %broadcast_in_dim3A_42 : vector<16xi32> to vector<1x16xi32>
    tpu.vector_store %arg8[%swap3A_44, %swap3A_45], %swap3A_48 {strides = array<i32>} : memref<129x128xi32, #tpu.memory_space<vmem>>, vector<1x16xi32>,
    %broadcast_in_dim3A_49 = arith.constant 0 : i32
    %broadcast_in_dim3A_50 = vector.broadcast %broadcast_in_dim3A_49 : i32 to vector<16xi32>
    %swap3A_51 = arith.constant 128 : i32
    %swap3A_52 = arith.index_cast %swap3A_51 : i32 to index
    %swap3A_53 = arith.constant 96 : index
    %swap3A_54 = tpu.vector_load %arg8[%swap3A_52, %swap3A_53] {strides = array<i32>} : memref<129x128xi32, #tpu.memory_space<vmem>>, vector<1x16xi32>,
    %swap3A_55 = vector.shape_cast %swap3A_54 : vector<1x16xi32> to vector<16xi32>
    %swap3A_56 = vector.shape_cast %broadcast_in_dim3A_50 : vector<16xi32> to vector<1x16xi32>
    tpu.vector_store %arg8[%swap3A_52, %swap3A_53], %swap3A_56 {strides = array<i32>} : memref<129x128xi32, #tpu.memory_space<vmem>>, vector<1x16xi32>,
    %broadcast_in_dim3A_57 = arith.constant 0 : i32
    %broadcast_in_dim3A_58 = vector.broadcast %broadcast_in_dim3A_57 : i32 to vector<16xi32>
    %swap3A_59 = arith.constant 128 : i32
    %swap3A_60 = arith.index_cast %swap3A_59 : i32 to index
    %swap3A_61 = arith.constant 112 : index
    %swap3A_62 = tpu.vector_load %arg8[%swap3A_60, %swap3A_61] {strides = array<i32>} : memref<129x128xi32, #tpu.memory_space<vmem>>, vector<1x16xi32>,
    %swap3A_63 = vector.shape_cast %swap3A_62 : vector<1x16xi32> to vector<16xi32>
    %swap3A_64 = vector.shape_cast %broadcast_in_dim3A_58 : vector<16xi32> to vector<1x16xi32>
    tpu.vector_store %arg8[%swap3A_60, %swap3A_61], %swap3A_64 {strides = array<i32>} : memref<129x128xi32, #tpu.memory_space<vmem>>, vector<1x16xi32>,
    "tpu.region"() ({
      %run_scoped3A = tpu.sem_alloc : memref<!tpu.dma_semaphore, #tpu.memory_space<semaphore_mem>>
      %dma_start3A_107 = tpu.memref_slice %arg4[%mul3A_2] : memref<4096xi32, #tpu.memory_space<hbm>> -> memref<128xi32, #tpu.memory_space<hbm>>
      %dma_start3A_108 = tpu.memref_slice %arg4[%mul3A_2] : memref<4096xi32, #tpu.memory_space<hbm>> -> memref<128xi32, #tpu.memory_space<hbm>>
      tpu.enqueue_dma source(%dma_start3A_108 : memref<128xi32, #tpu.memory_space<hbm>>) target(%arg9 : memref<128xi32, #tpu.memory_space<vmem>>) target_semaphore(%run_scoped3A : memref<!tpu.dma_semaphore, #tpu.memory_space<semaphore_mem>>)
      %dma_wait3A_109 = tpu.memref_slice %arg4[%mul3A_2] : memref<4096xi32, #tpu.memory_space<hbm>> -> memref<128xi32, #tpu.memory_space<hbm>>
      %dma_wait3A_110 = tpu.memref_slice %arg4[%mul3A_2] : memref<4096xi32, #tpu.memory_space<hbm>> -> memref<128xi32, #tpu.memory_space<hbm>>
      tpu.wait_dma2 semaphore(%run_scoped3A : memref<!tpu.dma_semaphore, #tpu.memory_space<semaphore_mem>>) src(%dma_wait3A_110 : memref<128xi32, #tpu.memory_space<hbm>>) dst(%arg9 : memref<128xi32, #tpu.memory_space<vmem>>)
      tpu.yield
    }) : () -> ()
    %dma_start3A = arith.constant 0 : i32
    %dma_start3A_65 = arith.constant 0 : i32
    %dma_start3A_66 = tpu.memref_slice %arg5[%dma_start3A, %dma_start3A_65] : memref<1000x128xf32, #tpu.memory_space<hbm>> -> memref<1000x128xf32, #tpu.memory_space<hbm>>
    tpu.enqueue_indirect_dma source(%dma_start3A_66 : memref<1000x128xf32, #tpu.memory_space<hbm>>) target(%arg10 : memref<128x128xf32, #tpu.memory_space<vmem>>) offsets(%arg9 : memref<128xi32, #tpu.memory_space<vmem>>) semaphore(%arg15 : memref<!tpu.dma_semaphore, #tpu.memory_space<semaphore_mem>>)
    %dma_wait3A = arith.constant 0 : i32
    %dma_wait3A_67 = arith.constant 0 : i32
    %dma_wait3A_68 = tpu.memref_slice %arg5[%dma_wait3A, %dma_wait3A_67] : memref<1000x128xf32, #tpu.memory_space<hbm>> -> memref<1000x128xf32, #tpu.memory_space<hbm>>
    tpu.wait_indirect_dma semaphore(%arg15 : memref<!tpu.dma_semaphore, #tpu.memory_space<semaphore_mem>>) src(%dma_wait3A_68 : memref<1000x128xf32, #tpu.memory_space<hbm>>) dst(%arg10 : memref<128x128xf32, #tpu.memory_space<vmem>>)
    "tpu.region"() ({
      %run_scoped3A = tpu.sem_alloc : memref<!tpu.dma_semaphore, #tpu.memory_space<semaphore_mem>>
      %dma_start3A_107 = arith.constant 0 : i32
      %dma_start3A_108 = tpu.memref_slice %arg7[%mul3A_2, %dma_start3A_107] : memref<4096x128xf32, #tpu.memory_space<hbm>> -> memref<128x128xf32, #tpu.memory_space<hbm>>
      %dma_start3A_109 = arith.constant 0 : i32
      %dma_start3A_110 = tpu.memref_slice %arg7[%mul3A_2, %dma_start3A_109] : memref<4096x128xf32, #tpu.memory_space<hbm>> -> memref<128x128xf32, #tpu.memory_space<hbm>>
      tpu.enqueue_dma source(%arg10 : memref<128x128xf32, #tpu.memory_space<vmem>>) target(%dma_start3A_110 : memref<128x128xf32, #tpu.memory_space<hbm>>) target_semaphore(%run_scoped3A : memref<!tpu.dma_semaphore, #tpu.memory_space<semaphore_mem>>)
      %dma_wait3A_111 = arith.constant 0 : i32
      %dma_wait3A_112 = tpu.memref_slice %arg7[%mul3A_2, %dma_wait3A_111] : memref<4096x128xf32, #tpu.memory_space<hbm>> -> memref<128x128xf32, #tpu.memory_space<hbm>>
      %dma_wait3A_113 = arith.constant 0 : i32
      %dma_wait3A_114 = tpu.memref_slice %arg7[%mul3A_2, %dma_wait3A_113] : memref<4096x128xf32, #tpu.memory_space<hbm>> -> memref<128x128xf32, #tpu.memory_space<hbm>>
      tpu.wait_dma2 semaphore(%run_scoped3A : memref<!tpu.dma_semaphore, #tpu.memory_space<semaphore_mem>>) src(%arg10 : memref<128x128xf32, #tpu.memory_space<vmem>>) dst(%dma_wait3A_114 : memref<128x128xf32, #tpu.memory_space<hbm>>)
      tpu.yield
    }) : () -> ()
    %dma_start3A_69 = arith.constant 0 : i32
    %dma_start3A_70 = arith.constant 0 : i32
    %dma_start3A_71 = tpu.memref_slice %arg8[%dma_start3A_69, %dma_start3A_70] : memref<129x128xi32, #tpu.memory_space<vmem>> -> memref<1x128xi32, #tpu.memory_space<vmem>>
    %dma_start3A_72 = tpu.memref_squeeze %dma_start3A_71 : memref<1x128xi32, #tpu.memory_space<vmem>> -> memref<128xi32, #tpu.memory_space<vmem>>
    %dma_start3A_73 = arith.constant 0 : i32
    %dma_start3A_74 = arith.constant 0 : i32
    %dma_start3A_75 = tpu.memref_slice %arg2[%dma_start3A_73, %dma_start3A_74] : memref<8192x128xf32, #tpu.memory_space<hbm>> -> memref<8192x128xf32, #tpu.memory_space<hbm>>
    tpu.enqueue_indirect_dma source(%dma_start3A_75 : memref<8192x128xf32, #tpu.memory_space<hbm>>) target(%arg11 : memref<128x128xf32, #tpu.memory_space<vmem>>) offsets(%dma_start3A_72 : memref<128xi32, #tpu.memory_space<vmem>>) semaphore(%arg16 : memref<!tpu.dma_semaphore, #tpu.memory_space<semaphore_mem>>)
    %scan3A = arith.constant 0 : i32
    %scan3A_76 = arith.constant 0 : i32
    %scan3A_77 = arith.constant 64 : i32
    %scan3A_78 = arith.addi %scan3A_76, %scan3A_77 : i32
    %scan3A_79 = arith.constant 1 : i32
    scf.for %scan3A_107 = %scan3A_76 to %scan3A_78 step %scan3A_79  : i32 {
      %mul3A_108 = arith.constant 2 : i32
      %mul3A_109 = arith.muli %mul3A_108, %scan3A_107 : i32
      %add3A_110 = arith.constant 0 : i32
      %add3A_111 = arith.addi %mul3A_109, %add3A_110 : i32
      %add3A_112 = arith.constant 1 : i32
      %add3A_113 = arith.addi %add3A_111, %add3A_112 : i32
      %dma_start3A_114 = arith.constant 0 : i32
      %dma_start3A_115 = tpu.memref_slice %arg8[%add3A_113, %dma_start3A_114] : memref<129x128xi32, #tpu.memory_space<vmem>> -> memref<1x128xi32, #tpu.memory_space<vmem>>
      %dma_start3A_116 = tpu.memref_squeeze %dma_start3A_115 : memref<1x128xi32, #tpu.memory_space<vmem>> -> memref<128xi32, #tpu.memory_space<vmem>>
      %dma_start3A_117 = arith.constant 0 : i32
      %dma_start3A_118 = arith.constant 0 : i32
      %dma_start3A_119 = tpu.memref_slice %arg2[%dma_start3A_117, %dma_start3A_118] : memref<8192x128xf32, #tpu.memory_space<hbm>> -> memref<8192x128xf32, #tpu.memory_space<hbm>>
      tpu.enqueue_indirect_dma source(%dma_start3A_119 : memref<8192x128xf32, #tpu.memory_space<hbm>>) target(%arg12 : memref<128x128xf32, #tpu.memory_space<vmem>>) offsets(%dma_start3A_116 : memref<128xi32, #tpu.memory_space<vmem>>) semaphore(%arg17 : memref<!tpu.dma_semaphore, #tpu.memory_space<semaphore_mem>>)
      %dma_wait3A_120 = arith.constant 0 : i32
      %dma_wait3A_121 = tpu.memref_slice %arg8[%add3A_111, %dma_wait3A_120] : memref<129x128xi32, #tpu.memory_space<vmem>> -> memref<1x128xi32, #tpu.memory_space<vmem>>
      %dma_wait3A_122 = tpu.memref_squeeze %dma_wait3A_121 : memref<1x128xi32, #tpu.memory_space<vmem>> -> memref<128xi32, #tpu.memory_space<vmem>>
      %dma_wait3A_123 = arith.constant 0 : i32
      %dma_wait3A_124 = arith.constant 0 : i32
      %dma_wait3A_125 = tpu.memref_slice %arg2[%dma_wait3A_123, %dma_wait3A_124] : memref<8192x128xf32, #tpu.memory_space<hbm>> -> memref<8192x128xf32, #tpu.memory_space<hbm>>
      tpu.wait_indirect_dma semaphore(%arg16 : memref<!tpu.dma_semaphore, #tpu.memory_space<semaphore_mem>>) src(%dma_wait3A_125 : memref<8192x128xf32, #tpu.memory_space<hbm>>) dst(%arg11 : memref<128x128xf32, #tpu.memory_space<vmem>>)
      %gt3A = arith.constant 0 : i32
      %gt3A_126 = arith.cmpi sgt, %scan3A_107, %gt3A : i32
      %convert_element_type3A = arith.extui %gt3A_126 : i1 to i32
      %cond3A = arith.constant 0 : i32
      %cond3A_127 = arith.cmpi ne, %convert_element_type3A, %cond3A : i32
      scf.if %cond3A_127 {
        %add3A_233 = arith.addi %mul3A_2, %add3A_111 : i32
        %sub3A_234 = arith.constant 2 : i32
        %sub3A_235 = arith.subi %add3A_233, %sub3A_234 : i32
        %dma_wait3A_236 = arith.constant 0 : i32
        %dma_wait3A_237 = tpu.memref_slice %arg6[%sub3A_235, %dma_wait3A_236] : memref<4096x1024xf32, #tpu.memory_space<hbm>> -> memref<1x1024xf32, #tpu.memory_space<hbm>>
        %dma_wait3A_238 = tpu.memref_squeeze %dma_wait3A_237 : memref<1x1024xf32, #tpu.memory_space<hbm>> -> memref<1024xf32, #tpu.memory_space<hbm>>
        %dma_wait3A_239 = arith.constant 0 : i32
        %dma_wait3A_240 = tpu.memref_slice %arg6[%sub3A_235, %dma_wait3A_239] : memref<4096x1024xf32, #tpu.memory_space<hbm>> -> memref<1x1024xf32, #tpu.memory_space<hbm>>
        %dma_wait3A_241 = tpu.memref_squeeze %dma_wait3A_240 : memref<1x1024xf32, #tpu.memory_space<hbm>> -> memref<1024xf32, #tpu.memory_space<hbm>>
        tpu.wait_dma2 semaphore(%arg18 : memref<!tpu.dma_semaphore, #tpu.memory_space<semaphore_mem>>) src(%arg13 : memref<1024xf32, #tpu.memory_space<vmem>>) dst(%dma_wait3A_241 : memref<1024xf32, #tpu.memory_space<hbm>>)
      } else {
      }
      %get3A = arith.index_cast %add3A_111 : i32 to index
      %get3A_128 = arith.constant 0 : index
      %get3A_129 = tpu.vector_load %arg10[%get3A, %get3A_128] {strides = array<i32>} : memref<128x128xf32, #tpu.memory_space<vmem>>, vector<1x16xf32>,
      %get3A_130 = vector.shape_cast %get3A_129 : vector<1x16xf32> to vector<16xf32>
      %get3A_131 = arith.index_cast %add3A_111 : i32 to index
      %get3A_132 = arith.constant 16 : index
      %get3A_133 = tpu.vector_load %arg10[%get3A_131, %get3A_132] {strides = array<i32>} : memref<128x128xf32, #tpu.memory_space<vmem>>, vector<1x16xf32>,
      %get3A_134 = vector.shape_cast %get3A_133 : vector<1x16xf32> to vector<16xf32>
      %get3A_135 = arith.index_cast %add3A_111 : i32 to index
      %get3A_136 = arith.constant 32 : index
      %get3A_137 = tpu.vector_load %arg10[%get3A_135, %get3A_136] {strides = array<i32>} : memref<128x128xf32, #tpu.memory_space<vmem>>, vector<1x16xf32>,
      %get3A_138 = vector.shape_cast %get3A_137 : vector<1x16xf32> to vector<16xf32>
      %get3A_139 = arith.index_cast %add3A_111 : i32 to index
      %get3A_140 = arith.constant 48 : index
      %get3A_141 = tpu.vector_load %arg10[%get3A_139, %get3A_140] {strides = array<i32>} : memref<128x128xf32, #tpu.memory_space<vmem>>, vector<1x16xf32>,
      %get3A_142 = vector.shape_cast %get3A_141 : vector<1x16xf32> to vector<16xf32>
      %get3A_143 = arith.index_cast %add3A_111 : i32 to index
      %get3A_144 = arith.constant 64 : index
      %get3A_145 = tpu.vector_load %arg10[%get3A_143, %get3A_144] {strides = array<i32>} : memref<128x128xf32, #tpu.memory_space<vmem>>, vector<1x16xf32>,
      %get3A_146 = vector.shape_cast %get3A_145 : vector<1x16xf32> to vector<16xf32>
      %get3A_147 = arith.index_cast %add3A_111 : i32 to index
      %get3A_148 = arith.constant 80 : index
      %get3A_149 = tpu.vector_load %arg10[%get3A_147, %get3A_148] {strides = array<i32>} : memref<128x128xf32, #tpu.memory_space<vmem>>, vector<1x16xf32>,
      %get3A_150 = vector.shape_cast %get3A_149 : vector<1x16xf32> to vector<16xf32>
      %get3A_151 = arith.index_cast %add3A_111 : i32 to index
      %get3A_152 = arith.constant 96 : index
      %get3A_153 = tpu.vector_load %arg10[%get3A_151, %get3A_152] {strides = array<i32>} : memref<128x128xf32, #tpu.memory_space<vmem>>, vector<1x16xf32>,
      %get3A_154 = vector.shape_cast %get3A_153 : vector<1x16xf32> to vector<16xf32>
      %get3A_155 = arith.index_cast %add3A_111 : i32 to index
      %get3A_156 = arith.constant 112 : index
      %get3A_157 = tpu.vector_load %arg10[%get3A_155, %get3A_156] {strides = array<i32>} : memref<128x128xf32, #tpu.memory_space<vmem>>, vector<1x16xf32>,
      %get3A_158 = vector.shape_cast %get3A_157 : vector<1x16xf32> to vector<16xf32>
      %parallel_loop3A = arith.constant 0 : i32
      %parallel_loop3A_159 = arith.constant 64 : i32
      %parallel_loop3A_160 = arith.constant 1 : i32
      scf.for %parallel_loop3A_233 = %parallel_loop3A to %parallel_loop3A_159 step %parallel_loop3A_160  : i32 {
        %parallel_loop3A_234 = arith.constant 2 : i32
        %parallel_loop3A_235 = arith.muli %parallel_loop3A_234, %parallel_loop3A_233 : i32
        %parallel_loop3A_236 = arith.index_cast %parallel_loop3A_235 : i32 to index
        %parallel_loop3A_237 = arith.constant 0 : index
        %parallel_loop3A_238 = tpu.vector_load %arg11[%parallel_loop3A_236, %parallel_loop3A_237] {strides = array<i32>} : memref<128x128xf32, #tpu.memory_space<vmem>>, vector<1x16xf32>,
        %parallel_loop3A_239 = vector.shape_cast %parallel_loop3A_238 : vector<1x16xf32> to vector<16xf32>
        %parallel_loop3A_240 = arith.constant 2 : i32
        %parallel_loop3A_241 = arith.muli %parallel_loop3A_240, %parallel_loop3A_233 : i32
        %parallel_loop3A_242 = arith.index_cast %parallel_loop3A_241 : i32 to index
        %parallel_loop3A_243 = arith.constant 64 : index
        %parallel_loop3A_244 = tpu.vector_load %arg11[%parallel_loop3A_242, %parallel_loop3A_243] {strides = array<i32>} : memref<128x128xf32, #tpu.memory_space<vmem>>, vector<1x16xf32>,
        %parallel_loop3A_245 = vector.shape_cast %parallel_loop3A_244 : vector<1x16xf32> to vector<16xf32>
        %parallel_loop3A_246 = arith.constant 2 : i32
        %parallel_loop3A_247 = arith.muli %parallel_loop3A_246, %parallel_loop3A_233 : i32
        %parallel_loop3A_248 = arith.constant 1 : i32
        %parallel_loop3A_249 = arith.addi %parallel_loop3A_247, %parallel_loop3A_248 : i32
        %parallel_loop3A_250 = arith.index_cast %parallel_loop3A_249 : i32 to index
        %parallel_loop3A_251 = arith.constant 0 : index
        %parallel_loop3A_252 = tpu.vector_load %arg11[%parallel_loop3A_250, %parallel_loop3A_251] {strides = array<i32>} : memref<128x128xf32, #tpu.memory_space<vmem>>, vector<1x16xf32>,
        %parallel_loop3A_253 = vector.shape_cast %parallel_loop3A_252 : vector<1x16xf32> to vector<16xf32>
        %parallel_loop3A_254 = arith.constant 2 : i32
        %parallel_loop3A_255 = arith.muli %parallel_loop3A_254, %parallel_loop3A_233 : i32
        %parallel_loop3A_256 = arith.constant 1 : i32
        %parallel_loop3A_257 = arith.addi %parallel_loop3A_255, %parallel_loop3A_256 : i32
        %parallel_loop3A_258 = arith.index_cast %parallel_loop3A_257 : i32 to index
        %parallel_loop3A_259 = arith.constant 64 : index
        %parallel_loop3A_260 = tpu.vector_load %arg11[%parallel_loop3A_258, %parallel_loop3A_259] {strides = array<i32>} : memref<128x128xf32, #tpu.memory_space<vmem>>, vector<1x16xf32>,
        %parallel_loop3A_261 = vector.shape_cast %parallel_loop3A_260 : vector<1x16xf32> to vector<16xf32>
        %parallel_loop3A_262 = arith.mulf %parallel_loop3A_239, %parallel_loop3A_253 : vector<16xf32>
        %parallel_loop3A_263 = arith.mulf %parallel_loop3A_245, %parallel_loop3A_261 : vector<16xf32>
        %parallel_loop3A_264 = arith.addf %parallel_loop3A_262, %parallel_loop3A_263 : vector<16xf32>
        %parallel_loop3A_265 = arith.mulf %parallel_loop3A_239, %parallel_loop3A_261 : vector<16xf32>
        %parallel_loop3A_266 = arith.mulf %parallel_loop3A_245, %parallel_loop3A_253 : vector<16xf32>
        %parallel_loop3A_267 = arith.subf %parallel_loop3A_265, %parallel_loop3A_266 : vector<16xf32>
        %parallel_loop3A_268 = arith.mulf %get3A_130, %parallel_loop3A_264 : vector<16xf32>
        %parallel_loop3A_269 = arith.mulf %get3A_146, %parallel_loop3A_267 : vector<16xf32>
        %parallel_loop3A_270 = arith.addf %parallel_loop3A_268, %parallel_loop3A_269 : vector<16xf32>
        %parallel_loop3A_271 = arith.constant 2 : i32
        %parallel_loop3A_272 = arith.muli %parallel_loop3A_271, %parallel_loop3A_233 : i32
        %parallel_loop3A_273 = arith.index_cast %parallel_loop3A_272 : i32 to index
        %parallel_loop3A_274 = arith.constant 16 : index
        %parallel_loop3A_275 = tpu.vector_load %arg11[%parallel_loop3A_273, %parallel_loop3A_274] {strides = array<i32>} : memref<128x128xf32, #tpu.memory_space<vmem>>, vector<1x16xf32>,
        %parallel_loop3A_276 = vector.shape_cast %parallel_loop3A_275 : vector<1x16xf32> to vector<16xf32>
        %parallel_loop3A_277 = arith.constant 2 : i32
        %parallel_loop3A_278 = arith.muli %parallel_loop3A_277, %parallel_loop3A_233 : i32
        %parallel_loop3A_279 = arith.index_cast %parallel_loop3A_278 : i32 to index
        %parallel_loop3A_280 = arith.constant 80 : index
        %parallel_loop3A_281 = tpu.vector_load %arg11[%parallel_loop3A_279, %parallel_loop3A_280] {strides = array<i32>} : memref<128x128xf32, #tpu.memory_space<vmem>>, vector<1x16xf32>,
        %parallel_loop3A_282 = vector.shape_cast %parallel_loop3A_281 : vector<1x16xf32> to vector<16xf32>
        %parallel_loop3A_283 = arith.constant 2 : i32
        %parallel_loop3A_284 = arith.muli %parallel_loop3A_283, %parallel_loop3A_233 : i32
        %parallel_loop3A_285 = arith.constant 1 : i32
        %parallel_loop3A_286 = arith.addi %parallel_loop3A_284, %parallel_loop3A_285 : i32
        %parallel_loop3A_287 = arith.index_cast %parallel_loop3A_286 : i32 to index
        %parallel_loop3A_288 = arith.constant 16 : index
        %parallel_loop3A_289 = tpu.vector_load %arg11[%parallel_loop3A_287, %parallel_loop3A_288] {strides = array<i32>} : memref<128x128xf32, #tpu.memory_space<vmem>>, vector<1x16xf32>,
        %parallel_loop3A_290 = vector.shape_cast %parallel_loop3A_289 : vector<1x16xf32> to vector<16xf32>
        %parallel_loop3A_291 = arith.constant 2 : i32
        %parallel_loop3A_292 = arith.muli %parallel_loop3A_291, %parallel_loop3A_233 : i32
        %parallel_loop3A_293 = arith.constant 1 : i32
        %parallel_loop3A_294 = arith.addi %parallel_loop3A_292, %parallel_loop3A_293 : i32
        %parallel_loop3A_295 = arith.index_cast %parallel_loop3A_294 : i32 to index
        %parallel_loop3A_296 = arith.constant 80 : index
        %parallel_loop3A_297 = tpu.vector_load %arg11[%parallel_loop3A_295, %parallel_loop3A_296] {strides = array<i32>} : memref<128x128xf32, #tpu.memory_space<vmem>>, vector<1x16xf32>,
        %parallel_loop3A_298 = vector.shape_cast %parallel_loop3A_297 : vector<1x16xf32> to vector<16xf32>
        %parallel_loop3A_299 = arith.mulf %parallel_loop3A_276, %parallel_loop3A_290 : vector<16xf32>
        %parallel_loop3A_300 = arith.mulf %parallel_loop3A_282, %parallel_loop3A_298 : vector<16xf32>
        %parallel_loop3A_301 = arith.addf %parallel_loop3A_299, %parallel_loop3A_300 : vector<16xf32>
        %parallel_loop3A_302 = arith.mulf %parallel_loop3A_276, %parallel_loop3A_298 : vector<16xf32>
        %parallel_loop3A_303 = arith.mulf %parallel_loop3A_282, %parallel_loop3A_290 : vector<16xf32>
        %parallel_loop3A_304 = arith.subf %parallel_loop3A_302, %parallel_loop3A_303 : vector<16xf32>
        %parallel_loop3A_305 = arith.mulf %get3A_134, %parallel_loop3A_301 : vector<16xf32>
        %parallel_loop3A_306 = arith.mulf %get3A_150, %parallel_loop3A_304 : vector<16xf32>
        %parallel_loop3A_307 = arith.addf %parallel_loop3A_305, %parallel_loop3A_306 : vector<16xf32>
        %parallel_loop3A_308 = arith.constant 2 : i32
        %parallel_loop3A_309 = arith.muli %parallel_loop3A_308, %parallel_loop3A_233 : i32
        %parallel_loop3A_310 = arith.index_cast %parallel_loop3A_309 : i32 to index
        %parallel_loop3A_311 = arith.constant 32 : index
        %parallel_loop3A_312 = tpu.vector_load %arg11[%parallel_loop3A_310, %parallel_loop3A_311] {strides = array<i32>} : memref<128x128xf32, #tpu.memory_space<vmem>>, vector<1x16xf32>,
        %parallel_loop3A_313 = vector.shape_cast %parallel_loop3A_312 : vector<1x16xf32> to vector<16xf32>
        %parallel_loop3A_314 = arith.constant 2 : i32
        %parallel_loop3A_315 = arith.muli %parallel_loop3A_314, %parallel_loop3A_233 : i32
        %parallel_loop3A_316 = arith.index_cast %parallel_loop3A_315 : i32 to index
        %parallel_loop3A_317 = arith.constant 96 : index
        %parallel_loop3A_318 = tpu.vector_load %arg11[%parallel_loop3A_316, %parallel_loop3A_317] {strides = array<i32>} : memref<128x128xf32, #tpu.memory_space<vmem>>, vector<1x16xf32>,
        %parallel_loop3A_319 = vector.shape_cast %parallel_loop3A_318 : vector<1x16xf32> to vector<16xf32>
        %parallel_loop3A_320 = arith.constant 2 : i32
        %parallel_loop3A_321 = arith.muli %parallel_loop3A_320, %parallel_loop3A_233 : i32
        %parallel_loop3A_322 = arith.constant 1 : i32
        %parallel_loop3A_323 = arith.addi %parallel_loop3A_321, %parallel_loop3A_322 : i32
        %parallel_loop3A_324 = arith.index_cast %parallel_loop3A_323 : i32 to index
        %parallel_loop3A_325 = arith.constant 32 : index
        %parallel_loop3A_326 = tpu.vector_load %arg11[%parallel_loop3A_324, %parallel_loop3A_325] {strides = array<i32>} : memref<128x128xf32, #tpu.memory_space<vmem>>, vector<1x16xf32>,
        %parallel_loop3A_327 = vector.shape_cast %parallel_loop3A_326 : vector<1x16xf32> to vector<16xf32>
        %parallel_loop3A_328 = arith.constant 2 : i32
        %parallel_loop3A_329 = arith.muli %parallel_loop3A_328, %parallel_loop3A_233 : i32
        %parallel_loop3A_330 = arith.constant 1 : i32
        %parallel_loop3A_331 = arith.addi %parallel_loop3A_329, %parallel_loop3A_330 : i32
        %parallel_loop3A_332 = arith.index_cast %parallel_loop3A_331 : i32 to index
        %parallel_loop3A_333 = arith.constant 96 : index
        %parallel_loop3A_334 = tpu.vector_load %arg11[%parallel_loop3A_332, %parallel_loop3A_333] {strides = array<i32>} : memref<128x128xf32, #tpu.memory_space<vmem>>, vector<1x16xf32>,
        %parallel_loop3A_335 = vector.shape_cast %parallel_loop3A_334 : vector<1x16xf32> to vector<16xf32>
        %parallel_loop3A_336 = arith.mulf %parallel_loop3A_313, %parallel_loop3A_327 : vector<16xf32>
        %parallel_loop3A_337 = arith.mulf %parallel_loop3A_319, %parallel_loop3A_335 : vector<16xf32>
        %parallel_loop3A_338 = arith.addf %parallel_loop3A_336, %parallel_loop3A_337 : vector<16xf32>
        %parallel_loop3A_339 = arith.mulf %parallel_loop3A_313, %parallel_loop3A_335 : vector<16xf32>
        %parallel_loop3A_340 = arith.mulf %parallel_loop3A_319, %parallel_loop3A_327 : vector<16xf32>
        %parallel_loop3A_341 = arith.subf %parallel_loop3A_339, %parallel_loop3A_340 : vector<16xf32>
        %parallel_loop3A_342 = arith.mulf %get3A_138, %parallel_loop3A_338 : vector<16xf32>
        %parallel_loop3A_343 = arith.mulf %get3A_154, %parallel_loop3A_341 : vector<16xf32>
        %parallel_loop3A_344 = arith.addf %parallel_loop3A_342, %parallel_loop3A_343 : vector<16xf32>
        %parallel_loop3A_345 = arith.constant 2 : i32
        %parallel_loop3A_346 = arith.muli %parallel_loop3A_345, %parallel_loop3A_233 : i32
        %parallel_loop3A_347 = arith.index_cast %parallel_loop3A_346 : i32 to index
        %parallel_loop3A_348 = arith.constant 48 : index
        %parallel_loop3A_349 = tpu.vector_load %arg11[%parallel_loop3A_347, %parallel_loop3A_348] {strides = array<i32>} : memref<128x128xf32, #tpu.memory_space<vmem>>, vector<1x16xf32>,
        %parallel_loop3A_350 = vector.shape_cast %parallel_loop3A_349 : vector<1x16xf32> to vector<16xf32>
        %parallel_loop3A_351 = arith.constant 2 : i32
        %parallel_loop3A_352 = arith.muli %parallel_loop3A_351, %parallel_loop3A_233 : i32
        %parallel_loop3A_353 = arith.index_cast %parallel_loop3A_352 : i32 to index
        %parallel_loop3A_354 = arith.constant 112 : index
        %parallel_loop3A_355 = tpu.vector_load %arg11[%parallel_loop3A_353, %parallel_loop3A_354] {strides = array<i32>} : memref<128x128xf32, #tpu.memory_space<vmem>>, vector<1x16xf32>,
        %parallel_loop3A_356 = vector.shape_cast %parallel_loop3A_355 : vector<1x16xf32> to vector<16xf32>
        %parallel_loop3A_357 = arith.constant 2 : i32
        %parallel_loop3A_358 = arith.muli %parallel_loop3A_357, %parallel_loop3A_233 : i32
        %parallel_loop3A_359 = arith.constant 1 : i32
        %parallel_loop3A_360 = arith.addi %parallel_loop3A_358, %parallel_loop3A_359 : i32
        %parallel_loop3A_361 = arith.index_cast %parallel_loop3A_360 : i32 to index
        %parallel_loop3A_362 = arith.constant 48 : index
        %parallel_loop3A_363 = tpu.vector_load %arg11[%parallel_loop3A_361, %parallel_loop3A_362] {strides = array<i32>} : memref<128x128xf32, #tpu.memory_space<vmem>>, vector<1x16xf32>,
        %parallel_loop3A_364 = vector.shape_cast %parallel_loop3A_363 : vector<1x16xf32> to vector<16xf32>
        %parallel_loop3A_365 = arith.constant 2 : i32
        %parallel_loop3A_366 = arith.muli %parallel_loop3A_365, %parallel_loop3A_233 : i32
        %parallel_loop3A_367 = arith.constant 1 : i32
        %parallel_loop3A_368 = arith.addi %parallel_loop3A_366, %parallel_loop3A_367 : i32
        %parallel_loop3A_369 = arith.index_cast %parallel_loop3A_368 : i32 to index
        %parallel_loop3A_370 = arith.constant 112 : index
        %parallel_loop3A_371 = tpu.vector_load %arg11[%parallel_loop3A_369, %parallel_loop3A_370] {strides = array<i32>} : memref<128x128xf32, #tpu.memory_space<vmem>>, vector<1x16xf32>,
        %parallel_loop3A_372 = vector.shape_cast %parallel_loop3A_371 : vector<1x16xf32> to vector<16xf32>
        %parallel_loop3A_373 = arith.mulf %parallel_loop3A_350, %parallel_loop3A_364 : vector<16xf32>
        %parallel_loop3A_374 = arith.mulf %parallel_loop3A_356, %parallel_loop3A_372 : vector<16xf32>
        %parallel_loop3A_375 = arith.addf %parallel_loop3A_373, %parallel_loop3A_374 : vector<16xf32>
        %parallel_loop3A_376 = arith.mulf %parallel_loop3A_350, %parallel_loop3A_372 : vector<16xf32>
        %parallel_loop3A_377 = arith.mulf %parallel_loop3A_356, %parallel_loop3A_364 : vector<16xf32>
        %parallel_loop3A_378 = arith.subf %parallel_loop3A_376, %parallel_loop3A_377 : vector<16xf32>
        %parallel_loop3A_379 = arith.mulf %get3A_142, %parallel_loop3A_375 : vector<16xf32>
        %parallel_loop3A_380 = arith.mulf %get3A_158, %parallel_loop3A_378 : vector<16xf32>
        %parallel_loop3A_381 = arith.addf %parallel_loop3A_379, %parallel_loop3A_380 : vector<16xf32>
        %parallel_loop3A_382 = arith.addf %parallel_loop3A_270, %parallel_loop3A_307 : vector<16xf32>
        %parallel_loop3A_383 = arith.addf %parallel_loop3A_344, %parallel_loop3A_381 : vector<16xf32>
        %parallel_loop3A_384 = arith.addf %parallel_loop3A_382, %parallel_loop3A_383 : vector<16xf32>
        %parallel_loop3A_385 = arith.constant 16 : i32
        %parallel_loop3A_386 = arith.muli %parallel_loop3A_233, %parallel_loop3A_385 : i32
        %parallel_loop3A_387 = arith.index_cast %parallel_loop3A_386 : i32 to index
        %parallel_loop3A_388 = tpu.vector_load %arg13[%parallel_loop3A_387] {strides = array<i32>} : memref<1024xf32, #tpu.memory_space<vmem>>, vector<16xf32>,
        %parallel_loop3A_389 = vector.shape_cast %parallel_loop3A_388 : vector<16xf32> to vector<16xf32>
        %parallel_loop3A_390 = vector.shape_cast %parallel_loop3A_384 : vector<16xf32> to vector<16xf32>
        tpu.vector_store %arg13[%parallel_loop3A_387], %parallel_loop3A_390 {strides = array<i32>} : memref<1024xf32, #tpu.memory_space<vmem>>, vector<16xf32>,
      } {sc.loop_unroll_factor = 2 : i64, sc.parallel_access}
      %add3A_161 = arith.addi %mul3A_2, %add3A_111 : i32
      %dma_start3A_162 = arith.constant 0 : i32
      %dma_start3A_163 = tpu.memref_slice %arg6[%add3A_161, %dma_start3A_162] : memref<4096x1024xf32, #tpu.memory_space<hbm>> -> memref<1x1024xf32, #tpu.memory_space<hbm>>
      %dma_start3A_164 = tpu.memref_squeeze %dma_start3A_163 : memref<1x1024xf32, #tpu.memory_space<hbm>> -> memref<1024xf32, #tpu.memory_space<hbm>>
      %dma_start3A_165 = arith.constant 0 : i32
      %dma_start3A_166 = tpu.memref_slice %arg6[%add3A_161, %dma_start3A_165] : memref<4096x1024xf32, #tpu.memory_space<hbm>> -> memref<1x1024xf32, #tpu.memory_space<hbm>>
      %dma_start3A_167 = tpu.memref_squeeze %dma_start3A_166 : memref<1x1024xf32, #tpu.memory_space<hbm>> -> memref<1024xf32, #tpu.memory_space<hbm>>
      tpu.enqueue_dma source(%arg13 : memref<1024xf32, #tpu.memory_space<vmem>>) target(%dma_start3A_167 : memref<1024xf32, #tpu.memory_space<hbm>>) target_semaphore(%arg18 : memref<!tpu.dma_semaphore, #tpu.memory_space<semaphore_mem>>)
      %mul3A_168 = arith.constant 2 : i32
      %mul3A_169 = arith.muli %mul3A_168, %scan3A_107 : i32
      %add3A_170 = arith.constant 1 : i32
      %add3A_171 = arith.addi %mul3A_169, %add3A_170 : i32
      %add3A_172 = arith.constant 1 : i32
      %add3A_173 = arith.addi %add3A_171, %add3A_172 : i32
      %dma_start3A_174 = arith.constant 0 : i32
      %dma_start3A_175 = tpu.memref_slice %arg8[%add3A_173, %dma_start3A_174] : memref<129x128xi32, #tpu.memory_space<vmem>> -> memref<1x128xi32, #tpu.memory_space<vmem>>
      %dma_start3A_176 = tpu.memref_squeeze %dma_start3A_175 : memref<1x128xi32, #tpu.memory_space<vmem>> -> memref<128xi32, #tpu.memory_space<vmem>>
      %dma_start3A_177 = arith.constant 0 : i32
      %dma_start3A_178 = arith.constant 0 : i32
      %dma_start3A_179 = tpu.memref_slice %arg2[%dma_start3A_177, %dma_start3A_178] : memref<8192x128xf32, #tpu.memory_space<hbm>> -> memref<8192x128xf32, #tpu.memory_space<hbm>>
      tpu.enqueue_indirect_dma source(%dma_start3A_179 : memref<8192x128xf32, #tpu.memory_space<hbm>>) target(%arg11 : memref<128x128xf32, #tpu.memory_space<vmem>>) offsets(%dma_start3A_176 : memref<128xi32, #tpu.memory_space<vmem>>) semaphore(%arg16 : memref<!tpu.dma_semaphore, #tpu.memory_space<semaphore_mem>>)
      %dma_wait3A_180 = arith.constant 0 : i32
      %dma_wait3A_181 = tpu.memref_slice %arg8[%add3A_171, %dma_wait3A_180] : memref<129x128xi32, #tpu.memory_space<vmem>> -> memref<1x128xi32, #tpu.memory_space<vmem>>
      %dma_wait3A_182 = tpu.memref_squeeze %dma_wait3A_181 : memref<1x128xi32, #tpu.memory_space<vmem>> -> memref<128xi32, #tpu.memory_space<vmem>>
      %dma_wait3A_183 = arith.constant 0 : i32
      %dma_wait3A_184 = arith.constant 0 : i32
      %dma_wait3A_185 = tpu.memref_slice %arg2[%dma_wait3A_183, %dma_wait3A_184] : memref<8192x128xf32, #tpu.memory_space<hbm>> -> memref<8192x128xf32, #tpu.memory_space<hbm>>
      tpu.wait_indirect_dma semaphore(%arg17 : memref<!tpu.dma_semaphore, #tpu.memory_space<semaphore_mem>>) src(%dma_wait3A_185 : memref<8192x128xf32, #tpu.memory_space<hbm>>) dst(%arg12 : memref<128x128xf32, #tpu.memory_space<vmem>>)
      %gt3A_186 = arith.constant 0 : i32
      %gt3A_187 = arith.cmpi sgt, %scan3A_107, %gt3A_186 : i32
      %convert_element_type3A_188 = arith.extui %gt3A_187 : i1 to i32
      %cond3A_189 = arith.constant 0 : i32
      %cond3A_190 = arith.cmpi ne, %convert_element_type3A_188, %cond3A_189 : i32
      scf.if %cond3A_190 {
        %add3A_233 = arith.addi %mul3A_2, %add3A_171 : i32
        %sub3A_234 = arith.constant 2 : i32
        %sub3A_235 = arith.subi %add3A_233, %sub3A_234 : i32
        %dma_wait3A_236 = arith.constant 0 : i32
        %dma_wait3A_237 = tpu.memref_slice %arg6[%sub3A_235, %dma_wait3A_236] : memref<4096x1024xf32, #tpu.memory_space<hbm>> -> memref<1x1024xf32, #tpu.memory_space<hbm>>
        %dma_wait3A_238 = tpu.memref_squeeze %dma_wait3A_237 : memref<1x1024xf32, #tpu.memory_space<hbm>> -> memref<1024xf32, #tpu.memory_space<hbm>>
        %dma_wait3A_239 = arith.constant 0 : i32
        %dma_wait3A_240 = tpu.memref_slice %arg6[%sub3A_235, %dma_wait3A_239] : memref<4096x1024xf32, #tpu.memory_space<hbm>> -> memref<1x1024xf32, #tpu.memory_space<hbm>>
        %dma_wait3A_241 = tpu.memref_squeeze %dma_wait3A_240 : memref<1x1024xf32, #tpu.memory_space<hbm>> -> memref<1024xf32, #tpu.memory_space<hbm>>
        tpu.wait_dma2 semaphore(%arg19 : memref<!tpu.dma_semaphore, #tpu.memory_space<semaphore_mem>>) src(%arg14 : memref<1024xf32, #tpu.memory_space<vmem>>) dst(%dma_wait3A_241 : memref<1024xf32, #tpu.memory_space<hbm>>)
      } else {
      }
      %get3A_191 = arith.index_cast %add3A_171 : i32 to index
      %get3A_192 = arith.constant 0 : index
      %get3A_193 = tpu.vector_load %arg10[%get3A_191, %get3A_192] {strides = array<i32>} : memref<128x128xf32, #tpu.memory_space<vmem>>, vector<1x16xf32>,
      %get3A_194 = vector.shape_cast %get3A_193 : vector<1x16xf32> to vector<16xf32>
      %get3A_195 = arith.index_cast %add3A_171 : i32 to index
      %get3A_196 = arith.constant 16 : index
      %get3A_197 = tpu.vector_load %arg10[%get3A_195, %get3A_196] {strides = array<i32>} : memref<128x128xf32, #tpu.memory_space<vmem>>, vector<1x16xf32>,
      %get3A_198 = vector.shape_cast %get3A_197 : vector<1x16xf32> to vector<16xf32>
      %get3A_199 = arith.index_cast %add3A_171 : i32 to index
      %get3A_200 = arith.constant 32 : index
      %get3A_201 = tpu.vector_load %arg10[%get3A_199, %get3A_200] {strides = array<i32>} : memref<128x128xf32, #tpu.memory_space<vmem>>, vector<1x16xf32>,
      %get3A_202 = vector.shape_cast %get3A_201 : vector<1x16xf32> to vector<16xf32>
      %get3A_203 = arith.index_cast %add3A_171 : i32 to index
      %get3A_204 = arith.constant 48 : index
      %get3A_205 = tpu.vector_load %arg10[%get3A_203, %get3A_204] {strides = array<i32>} : memref<128x128xf32, #tpu.memory_space<vmem>>, vector<1x16xf32>,
      %get3A_206 = vector.shape_cast %get3A_205 : vector<1x16xf32> to vector<16xf32>
      %get3A_207 = arith.index_cast %add3A_171 : i32 to index
      %get3A_208 = arith.constant 64 : index
      %get3A_209 = tpu.vector_load %arg10[%get3A_207, %get3A_208] {strides = array<i32>} : memref<128x128xf32, #tpu.memory_space<vmem>>, vector<1x16xf32>,
      %get3A_210 = vector.shape_cast %get3A_209 : vector<1x16xf32> to vector<16xf32>
      %get3A_211 = arith.index_cast %add3A_171 : i32 to index
      %get3A_212 = arith.constant 80 : index
      %get3A_213 = tpu.vector_load %arg10[%get3A_211, %get3A_212] {strides = array<i32>} : memref<128x128xf32, #tpu.memory_space<vmem>>, vector<1x16xf32>,
      %get3A_214 = vector.shape_cast %get3A_213 : vector<1x16xf32> to vector<16xf32>
      %get3A_215 = arith.index_cast %add3A_171 : i32 to index
      %get3A_216 = arith.constant 96 : index
      %get3A_217 = tpu.vector_load %arg10[%get3A_215, %get3A_216] {strides = array<i32>} : memref<128x128xf32, #tpu.memory_space<vmem>>, vector<1x16xf32>,
      %get3A_218 = vector.shape_cast %get3A_217 : vector<1x16xf32> to vector<16xf32>
      %get3A_219 = arith.index_cast %add3A_171 : i32 to index
      %get3A_220 = arith.constant 112 : index
      %get3A_221 = tpu.vector_load %arg10[%get3A_219, %get3A_220] {strides = array<i32>} : memref<128x128xf32, #tpu.memory_space<vmem>>, vector<1x16xf32>,
      %get3A_222 = vector.shape_cast %get3A_221 : vector<1x16xf32> to vector<16xf32>
      %parallel_loop3A_223 = arith.constant 0 : i32
      %parallel_loop3A_224 = arith.constant 64 : i32
      %parallel_loop3A_225 = arith.constant 1 : i32
      scf.for %parallel_loop3A_233 = %parallel_loop3A_223 to %parallel_loop3A_224 step %parallel_loop3A_225  : i32 {
        %parallel_loop3A_234 = arith.constant 2 : i32
        %parallel_loop3A_235 = arith.muli %parallel_loop3A_234, %parallel_loop3A_233 : i32
        %parallel_loop3A_236 = arith.index_cast %parallel_loop3A_235 : i32 to index
        %parallel_loop3A_237 = arith.constant 0 : index
        %parallel_loop3A_238 = tpu.vector_load %arg12[%parallel_loop3A_236, %parallel_loop3A_237] {strides = array<i32>} : memref<128x128xf32, #tpu.memory_space<vmem>>, vector<1x16xf32>,
        %parallel_loop3A_239 = vector.shape_cast %parallel_loop3A_238 : vector<1x16xf32> to vector<16xf32>
        %parallel_loop3A_240 = arith.constant 2 : i32
        %parallel_loop3A_241 = arith.muli %parallel_loop3A_240, %parallel_loop3A_233 : i32
        %parallel_loop3A_242 = arith.index_cast %parallel_loop3A_241 : i32 to index
        %parallel_loop3A_243 = arith.constant 64 : index
        %parallel_loop3A_244 = tpu.vector_load %arg12[%parallel_loop3A_242, %parallel_loop3A_243] {strides = array<i32>} : memref<128x128xf32, #tpu.memory_space<vmem>>, vector<1x16xf32>,
        %parallel_loop3A_245 = vector.shape_cast %parallel_loop3A_244 : vector<1x16xf32> to vector<16xf32>
        %parallel_loop3A_246 = arith.constant 2 : i32
        %parallel_loop3A_247 = arith.muli %parallel_loop3A_246, %parallel_loop3A_233 : i32
        %parallel_loop3A_248 = arith.constant 1 : i32
        %parallel_loop3A_249 = arith.addi %parallel_loop3A_247, %parallel_loop3A_248 : i32
        %parallel_loop3A_250 = arith.index_cast %parallel_loop3A_249 : i32 to index
        %parallel_loop3A_251 = arith.constant 0 : index
        %parallel_loop3A_252 = tpu.vector_load %arg12[%parallel_loop3A_250, %parallel_loop3A_251] {strides = array<i32>} : memref<128x128xf32, #tpu.memory_space<vmem>>, vector<1x16xf32>,
        %parallel_loop3A_253 = vector.shape_cast %parallel_loop3A_252 : vector<1x16xf32> to vector<16xf32>
        %parallel_loop3A_254 = arith.constant 2 : i32
        %parallel_loop3A_255 = arith.muli %parallel_loop3A_254, %parallel_loop3A_233 : i32
        %parallel_loop3A_256 = arith.constant 1 : i32
        %parallel_loop3A_257 = arith.addi %parallel_loop3A_255, %parallel_loop3A_256 : i32
        %parallel_loop3A_258 = arith.index_cast %parallel_loop3A_257 : i32 to index
        %parallel_loop3A_259 = arith.constant 64 : index
        %parallel_loop3A_260 = tpu.vector_load %arg12[%parallel_loop3A_258, %parallel_loop3A_259] {strides = array<i32>} : memref<128x128xf32, #tpu.memory_space<vmem>>, vector<1x16xf32>,
        %parallel_loop3A_261 = vector.shape_cast %parallel_loop3A_260 : vector<1x16xf32> to vector<16xf32>
        %parallel_loop3A_262 = arith.mulf %parallel_loop3A_239, %parallel_loop3A_253 : vector<16xf32>
        %parallel_loop3A_263 = arith.mulf %parallel_loop3A_245, %parallel_loop3A_261 : vector<16xf32>
        %parallel_loop3A_264 = arith.addf %parallel_loop3A_262, %parallel_loop3A_263 : vector<16xf32>
        %parallel_loop3A_265 = arith.mulf %parallel_loop3A_239, %parallel_loop3A_261 : vector<16xf32>
        %parallel_loop3A_266 = arith.mulf %parallel_loop3A_245, %parallel_loop3A_253 : vector<16xf32>
        %parallel_loop3A_267 = arith.subf %parallel_loop3A_265, %parallel_loop3A_266 : vector<16xf32>
        %parallel_loop3A_268 = arith.mulf %get3A_194, %parallel_loop3A_264 : vector<16xf32>
        %parallel_loop3A_269 = arith.mulf %get3A_210, %parallel_loop3A_267 : vector<16xf32>
        %parallel_loop3A_270 = arith.addf %parallel_loop3A_268, %parallel_loop3A_269 : vector<16xf32>
        %parallel_loop3A_271 = arith.constant 2 : i32
        %parallel_loop3A_272 = arith.muli %parallel_loop3A_271, %parallel_loop3A_233 : i32
        %parallel_loop3A_273 = arith.index_cast %parallel_loop3A_272 : i32 to index
        %parallel_loop3A_274 = arith.constant 16 : index
        %parallel_loop3A_275 = tpu.vector_load %arg12[%parallel_loop3A_273, %parallel_loop3A_274] {strides = array<i32>} : memref<128x128xf32, #tpu.memory_space<vmem>>, vector<1x16xf32>,
        %parallel_loop3A_276 = vector.shape_cast %parallel_loop3A_275 : vector<1x16xf32> to vector<16xf32>
        %parallel_loop3A_277 = arith.constant 2 : i32
        %parallel_loop3A_278 = arith.muli %parallel_loop3A_277, %parallel_loop3A_233 : i32
        %parallel_loop3A_279 = arith.index_cast %parallel_loop3A_278 : i32 to index
        %parallel_loop3A_280 = arith.constant 80 : index
        %parallel_loop3A_281 = tpu.vector_load %arg12[%parallel_loop3A_279, %parallel_loop3A_280] {strides = array<i32>} : memref<128x128xf32, #tpu.memory_space<vmem>>, vector<1x16xf32>,
        %parallel_loop3A_282 = vector.shape_cast %parallel_loop3A_281 : vector<1x16xf32> to vector<16xf32>
        %parallel_loop3A_283 = arith.constant 2 : i32
        %parallel_loop3A_284 = arith.muli %parallel_loop3A_283, %parallel_loop3A_233 : i32
        %parallel_loop3A_285 = arith.constant 1 : i32
        %parallel_loop3A_286 = arith.addi %parallel_loop3A_284, %parallel_loop3A_285 : i32
        %parallel_loop3A_287 = arith.index_cast %parallel_loop3A_286 : i32 to index
        %parallel_loop3A_288 = arith.constant 16 : index
        %parallel_loop3A_289 = tpu.vector_load %arg12[%parallel_loop3A_287, %parallel_loop3A_288] {strides = array<i32>} : memref<128x128xf32, #tpu.memory_space<vmem>>, vector<1x16xf32>,
        %parallel_loop3A_290 = vector.shape_cast %parallel_loop3A_289 : vector<1x16xf32> to vector<16xf32>
        %parallel_loop3A_291 = arith.constant 2 : i32
        %parallel_loop3A_292 = arith.muli %parallel_loop3A_291, %parallel_loop3A_233 : i32
        %parallel_loop3A_293 = arith.constant 1 : i32
        %parallel_loop3A_294 = arith.addi %parallel_loop3A_292, %parallel_loop3A_293 : i32
        %parallel_loop3A_295 = arith.index_cast %parallel_loop3A_294 : i32 to index
        %parallel_loop3A_296 = arith.constant 80 : index
        %parallel_loop3A_297 = tpu.vector_load %arg12[%parallel_loop3A_295, %parallel_loop3A_296] {strides = array<i32>} : memref<128x128xf32, #tpu.memory_space<vmem>>, vector<1x16xf32>,
        %parallel_loop3A_298 = vector.shape_cast %parallel_loop3A_297 : vector<1x16xf32> to vector<16xf32>
        %parallel_loop3A_299 = arith.mulf %parallel_loop3A_276, %parallel_loop3A_290 : vector<16xf32>
        %parallel_loop3A_300 = arith.mulf %parallel_loop3A_282, %parallel_loop3A_298 : vector<16xf32>
        %parallel_loop3A_301 = arith.addf %parallel_loop3A_299, %parallel_loop3A_300 : vector<16xf32>
        %parallel_loop3A_302 = arith.mulf %parallel_loop3A_276, %parallel_loop3A_298 : vector<16xf32>
        %parallel_loop3A_303 = arith.mulf %parallel_loop3A_282, %parallel_loop3A_290 : vector<16xf32>
        %parallel_loop3A_304 = arith.subf %parallel_loop3A_302, %parallel_loop3A_303 : vector<16xf32>
        %parallel_loop3A_305 = arith.mulf %get3A_198, %parallel_loop3A_301 : vector<16xf32>
        %parallel_loop3A_306 = arith.mulf %get3A_214, %parallel_loop3A_304 : vector<16xf32>
        %parallel_loop3A_307 = arith.addf %parallel_loop3A_305, %parallel_loop3A_306 : vector<16xf32>
        %parallel_loop3A_308 = arith.constant 2 : i32
        %parallel_loop3A_309 = arith.muli %parallel_loop3A_308, %parallel_loop3A_233 : i32
        %parallel_loop3A_310 = arith.index_cast %parallel_loop3A_309 : i32 to index
        %parallel_loop3A_311 = arith.constant 32 : index
        %parallel_loop3A_312 = tpu.vector_load %arg12[%parallel_loop3A_310, %parallel_loop3A_311] {strides = array<i32>} : memref<128x128xf32, #tpu.memory_space<vmem>>, vector<1x16xf32>,
        %parallel_loop3A_313 = vector.shape_cast %parallel_loop3A_312 : vector<1x16xf32> to vector<16xf32>
        %parallel_loop3A_314 = arith.constant 2 : i32
        %parallel_loop3A_315 = arith.muli %parallel_loop3A_314, %parallel_loop3A_233 : i32
        %parallel_loop3A_316 = arith.index_cast %parallel_loop3A_315 : i32 to index
        %parallel_loop3A_317 = arith.constant 96 : index
        %parallel_loop3A_318 = tpu.vector_load %arg12[%parallel_loop3A_316, %parallel_loop3A_317] {strides = array<i32>} : memref<128x128xf32, #tpu.memory_space<vmem>>, vector<1x16xf32>,
        %parallel_loop3A_319 = vector.shape_cast %parallel_loop3A_318 : vector<1x16xf32> to vector<16xf32>
        %parallel_loop3A_320 = arith.constant 2 : i32
        %parallel_loop3A_321 = arith.muli %parallel_loop3A_320, %parallel_loop3A_233 : i32
        %parallel_loop3A_322 = arith.constant 1 : i32
        %parallel_loop3A_323 = arith.addi %parallel_loop3A_321, %parallel_loop3A_322 : i32
        %parallel_loop3A_324 = arith.index_cast %parallel_loop3A_323 : i32 to index
        %parallel_loop3A_325 = arith.constant 32 : index
        %parallel_loop3A_326 = tpu.vector_load %arg12[%parallel_loop3A_324, %parallel_loop3A_325] {strides = array<i32>} : memref<128x128xf32, #tpu.memory_space<vmem>>, vector<1x16xf32>,
        %parallel_loop3A_327 = vector.shape_cast %parallel_loop3A_326 : vector<1x16xf32> to vector<16xf32>
        %parallel_loop3A_328 = arith.constant 2 : i32
        %parallel_loop3A_329 = arith.muli %parallel_loop3A_328, %parallel_loop3A_233 : i32
        %parallel_loop3A_330 = arith.constant 1 : i32
        %parallel_loop3A_331 = arith.addi %parallel_loop3A_329, %parallel_loop3A_330 : i32
        %parallel_loop3A_332 = arith.index_cast %parallel_loop3A_331 : i32 to index
        %parallel_loop3A_333 = arith.constant 96 : index
        %parallel_loop3A_334 = tpu.vector_load %arg12[%parallel_loop3A_332, %parallel_loop3A_333] {strides = array<i32>} : memref<128x128xf32, #tpu.memory_space<vmem>>, vector<1x16xf32>,
        %parallel_loop3A_335 = vector.shape_cast %parallel_loop3A_334 : vector<1x16xf32> to vector<16xf32>
        %parallel_loop3A_336 = arith.mulf %parallel_loop3A_313, %parallel_loop3A_327 : vector<16xf32>
        %parallel_loop3A_337 = arith.mulf %parallel_loop3A_319, %parallel_loop3A_335 : vector<16xf32>
        %parallel_loop3A_338 = arith.addf %parallel_loop3A_336, %parallel_loop3A_337 : vector<16xf32>
        %parallel_loop3A_339 = arith.mulf %parallel_loop3A_313, %parallel_loop3A_335 : vector<16xf32>
        %parallel_loop3A_340 = arith.mulf %parallel_loop3A_319, %parallel_loop3A_327 : vector<16xf32>
        %parallel_loop3A_341 = arith.subf %parallel_loop3A_339, %parallel_loop3A_340 : vector<16xf32>
        %parallel_loop3A_342 = arith.mulf %get3A_202, %parallel_loop3A_338 : vector<16xf32>
        %parallel_loop3A_343 = arith.mulf %get3A_218, %parallel_loop3A_341 : vector<16xf32>
        %parallel_loop3A_344 = arith.addf %parallel_loop3A_342, %parallel_loop3A_343 : vector<16xf32>
        %parallel_loop3A_345 = arith.constant 2 : i32
        %parallel_loop3A_346 = arith.muli %parallel_loop3A_345, %parallel_loop3A_233 : i32
        %parallel_loop3A_347 = arith.index_cast %parallel_loop3A_346 : i32 to index
        %parallel_loop3A_348 = arith.constant 48 : index
        %parallel_loop3A_349 = tpu.vector_load %arg12[%parallel_loop3A_347, %parallel_loop3A_348] {strides = array<i32>} : memref<128x128xf32, #tpu.memory_space<vmem>>, vector<1x16xf32>,
        %parallel_loop3A_350 = vector.shape_cast %parallel_loop3A_349 : vector<1x16xf32> to vector<16xf32>
        %parallel_loop3A_351 = arith.constant 2 : i32
        %parallel_loop3A_352 = arith.muli %parallel_loop3A_351, %parallel_loop3A_233 : i32
        %parallel_loop3A_353 = arith.index_cast %parallel_loop3A_352 : i32 to index
        %parallel_loop3A_354 = arith.constant 112 : index
        %parallel_loop3A_355 = tpu.vector_load %arg12[%parallel_loop3A_353, %parallel_loop3A_354] {strides = array<i32>} : memref<128x128xf32, #tpu.memory_space<vmem>>, vector<1x16xf32>,
        %parallel_loop3A_356 = vector.shape_cast %parallel_loop3A_355 : vector<1x16xf32> to vector<16xf32>
        %parallel_loop3A_357 = arith.constant 2 : i32
        %parallel_loop3A_358 = arith.muli %parallel_loop3A_357, %parallel_loop3A_233 : i32
        %parallel_loop3A_359 = arith.constant 1 : i32
        %parallel_loop3A_360 = arith.addi %parallel_loop3A_358, %parallel_loop3A_359 : i32
        %parallel_loop3A_361 = arith.index_cast %parallel_loop3A_360 : i32 to index
        %parallel_loop3A_362 = arith.constant 48 : index
        %parallel_loop3A_363 = tpu.vector_load %arg12[%parallel_loop3A_361, %parallel_loop3A_362] {strides = array<i32>} : memref<128x128xf32, #tpu.memory_space<vmem>>, vector<1x16xf32>,
        %parallel_loop3A_364 = vector.shape_cast %parallel_loop3A_363 : vector<1x16xf32> to vector<16xf32>
        %parallel_loop3A_365 = arith.constant 2 : i32
        %parallel_loop3A_366 = arith.muli %parallel_loop3A_365, %parallel_loop3A_233 : i32
        %parallel_loop3A_367 = arith.constant 1 : i32
        %parallel_loop3A_368 = arith.addi %parallel_loop3A_366, %parallel_loop3A_367 : i32
        %parallel_loop3A_369 = arith.index_cast %parallel_loop3A_368 : i32 to index
        %parallel_loop3A_370 = arith.constant 112 : index
        %parallel_loop3A_371 = tpu.vector_load %arg12[%parallel_loop3A_369, %parallel_loop3A_370] {strides = array<i32>} : memref<128x128xf32, #tpu.memory_space<vmem>>, vector<1x16xf32>,
        %parallel_loop3A_372 = vector.shape_cast %parallel_loop3A_371 : vector<1x16xf32> to vector<16xf32>
        %parallel_loop3A_373 = arith.mulf %parallel_loop3A_350, %parallel_loop3A_364 : vector<16xf32>
        %parallel_loop3A_374 = arith.mulf %parallel_loop3A_356, %parallel_loop3A_372 : vector<16xf32>
        %parallel_loop3A_375 = arith.addf %parallel_loop3A_373, %parallel_loop3A_374 : vector<16xf32>
        %parallel_loop3A_376 = arith.mulf %parallel_loop3A_350, %parallel_loop3A_372 : vector<16xf32>
        %parallel_loop3A_377 = arith.mulf %parallel_loop3A_356, %parallel_loop3A_364 : vector<16xf32>
        %parallel_loop3A_378 = arith.subf %parallel_loop3A_376, %parallel_loop3A_377 : vector<16xf32>
        %parallel_loop3A_379 = arith.mulf %get3A_206, %parallel_loop3A_375 : vector<16xf32>
        %parallel_loop3A_380 = arith.mulf %get3A_222, %parallel_loop3A_378 : vector<16xf32>
        %parallel_loop3A_381 = arith.addf %parallel_loop3A_379, %parallel_loop3A_380 : vector<16xf32>
        %parallel_loop3A_382 = arith.addf %parallel_loop3A_270, %parallel_loop3A_307 : vector<16xf32>
        %parallel_loop3A_383 = arith.addf %parallel_loop3A_344, %parallel_loop3A_381 : vector<16xf32>
        %parallel_loop3A_384 = arith.addf %parallel_loop3A_382, %parallel_loop3A_383 : vector<16xf32>
        %parallel_loop3A_385 = arith.constant 16 : i32
        %parallel_loop3A_386 = arith.muli %parallel_loop3A_233, %parallel_loop3A_385 : i32
        %parallel_loop3A_387 = arith.index_cast %parallel_loop3A_386 : i32 to index
        %parallel_loop3A_388 = tpu.vector_load %arg14[%parallel_loop3A_387] {strides = array<i32>} : memref<1024xf32, #tpu.memory_space<vmem>>, vector<16xf32>,
        %parallel_loop3A_389 = vector.shape_cast %parallel_loop3A_388 : vector<16xf32> to vector<16xf32>
        %parallel_loop3A_390 = vector.shape_cast %parallel_loop3A_384 : vector<16xf32> to vector<16xf32>
        tpu.vector_store %arg14[%parallel_loop3A_387], %parallel_loop3A_390 {strides = array<i32>} : memref<1024xf32, #tpu.memory_space<vmem>>, vector<16xf32>,
      } {sc.loop_unroll_factor = 2 : i64, sc.parallel_access}
      %add3A_226 = arith.addi %mul3A_2, %add3A_171 : i32
      %dma_start3A_227 = arith.constant 0 : i32
      %dma_start3A_228 = tpu.memref_slice %arg6[%add3A_226, %dma_start3A_227] : memref<4096x1024xf32, #tpu.memory_space<hbm>> -> memref<1x1024xf32, #tpu.memory_space<hbm>>
      %dma_start3A_229 = tpu.memref_squeeze %dma_start3A_228 : memref<1x1024xf32, #tpu.memory_space<hbm>> -> memref<1024xf32, #tpu.memory_space<hbm>>
      %dma_start3A_230 = arith.constant 0 : i32
      %dma_start3A_231 = tpu.memref_slice %arg6[%add3A_226, %dma_start3A_230] : memref<4096x1024xf32, #tpu.memory_space<hbm>> -> memref<1x1024xf32, #tpu.memory_space<hbm>>
      %dma_start3A_232 = tpu.memref_squeeze %dma_start3A_231 : memref<1x1024xf32, #tpu.memory_space<hbm>> -> memref<1024xf32, #tpu.memory_space<hbm>>
      tpu.enqueue_dma source(%arg14 : memref<1024xf32, #tpu.memory_space<vmem>>) target(%dma_start3A_232 : memref<1024xf32, #tpu.memory_space<hbm>>) target_semaphore(%arg19 : memref<!tpu.dma_semaphore, #tpu.memory_space<semaphore_mem>>)
    }
    %scan3A_80 = arith.constant 64 : i32
    %add3A_81 = arith.constant 128 : i32
    %add3A_82 = arith.addi %mul3A_2, %add3A_81 : i32
    %sub3A = arith.constant 2 : i32
    %sub3A_83 = arith.subi %add3A_82, %sub3A : i32
    %dma_wait3A_84 = arith.constant 0 : i32
    %dma_wait3A_85 = tpu.memref_slice %arg6[%sub3A_83, %dma_wait3A_84] : memref<4096x1024xf32, #tpu.memory_space<hbm>> -> memref<1x1024xf32, #tpu.memory_space<hbm>>
    %dma_wait3A_86 = tpu.memref_squeeze %dma_wait3A_85 : memref<1x1024xf32, #tpu.memory_space<hbm>> -> memref<1024xf32, #tpu.memory_space<hbm>>
    %dma_wait3A_87 = arith.constant 0 : i32
    %dma_wait3A_88 = tpu.memref_slice %arg6[%sub3A_83, %dma_wait3A_87] : memref<4096x1024xf32, #tpu.memory_space<hbm>> -> memref<1x1024xf32, #tpu.memory_space<hbm>>
    %dma_wait3A_89 = tpu.memref_squeeze %dma_wait3A_88 : memref<1x1024xf32, #tpu.memory_space<hbm>> -> memref<1024xf32, #tpu.memory_space<hbm>>
    tpu.wait_dma2 semaphore(%arg18 : memref<!tpu.dma_semaphore, #tpu.memory_space<semaphore_mem>>) src(%arg13 : memref<1024xf32, #tpu.memory_space<vmem>>) dst(%dma_wait3A_89 : memref<1024xf32, #tpu.memory_space<hbm>>)
    %add3A_90 = arith.constant 128 : i32
    %add3A_91 = arith.addi %mul3A_2, %add3A_90 : i32
    %sub3A_92 = arith.constant 1 : i32
    %sub3A_93 = arith.subi %add3A_91, %sub3A_92 : i32
    %dma_wait3A_94 = arith.constant 0 : i32
    %dma_wait3A_95 = tpu.memref_slice %arg6[%sub3A_93, %dma_wait3A_94] : memref<4096x1024xf32, #tpu.memory_space<hbm>> -> memref<1x1024xf32, #tpu.memory_space<hbm>>
    %dma_wait3A_96 = tpu.memref_squeeze %dma_wait3A_95 : memref<1x1024xf32, #tpu.memory_space<hbm>> -> memref<1024xf32, #tpu.memory_space<hbm>>
    %dma_wait3A_97 = arith.constant 0 : i32
    %dma_wait3A_98 = tpu.memref_slice %arg6[%sub3A_93, %dma_wait3A_97] : memref<4096x1024xf32, #tpu.memory_space<hbm>> -> memref<1x1024xf32, #tpu.memory_space<hbm>>
    %dma_wait3A_99 = tpu.memref_squeeze %dma_wait3A_98 : memref<1x1024xf32, #tpu.memory_space<hbm>> -> memref<1024xf32, #tpu.memory_space<hbm>>
    tpu.wait_dma2 semaphore(%arg19 : memref<!tpu.dma_semaphore, #tpu.memory_space<semaphore_mem>>) src(%arg14 : memref<1024xf32, #tpu.memory_space<vmem>>) dst(%dma_wait3A_99 : memref<1024xf32, #tpu.memory_space<hbm>>)
    %dma_wait3A_100 = arith.constant 128 : i32
    %dma_wait3A_101 = arith.constant 0 : i32
    %dma_wait3A_102 = tpu.memref_slice %arg8[%dma_wait3A_100, %dma_wait3A_101] : memref<129x128xi32, #tpu.memory_space<vmem>> -> memref<1x128xi32, #tpu.memory_space<vmem>>
    %dma_wait3A_103 = tpu.memref_squeeze %dma_wait3A_102 : memref<1x128xi32, #tpu.memory_space<vmem>> -> memref<128xi32, #tpu.memory_space<vmem>>
    %dma_wait3A_104 = arith.constant 0 : i32
    %dma_wait3A_105 = arith.constant 0 : i32
    %dma_wait3A_106 = tpu.memref_slice %arg2[%dma_wait3A_104, %dma_wait3A_105] : memref<8192x128xf32, #tpu.memory_space<hbm>> -> memref<8192x128xf32, #tpu.memory_space<hbm>>
    tpu.wait_indirect_dma semaphore(%arg16 : memref<!tpu.dma_semaphore, #tpu.memory_space<semaphore_mem>>) src(%dma_wait3A_106 : memref<8192x128xf32, #tpu.memory_space<hbm>>) dst(%arg11 : memref<128x128xf32, #tpu.memory_space<vmem>>)
    return
  }
}

module attributes {stable_mosaic.version = 14 : i64} {
  func.func @_tc_body(%arg0: memref<4096x128xf32, #tpu.memory_space<vmem>>, %arg1: memref<4096x128xf32, #tpu.memory_space<vmem>>, %arg2: memref<4096x128xf32, #tpu.memory_space<vmem>>, %arg3: memref<4096x1024xf32, #tpu.memory_space<vmem>>, %arg4: memref<1x1xf32, #tpu.memory_space<vmem>>) attributes {dimension_semantics = [], scalar_prefetch = 0 : i64, scratch_operands = 0 : i64, tpu.core_type = #tpu.core_type<tc>} {
    %get3A = arith.constant 0 : index
    %get3A_0 = arith.constant 0 : index
    %get3A_1 = vector.load %arg0[%get3A, %get3A_0] : memref<4096x128xf32, #tpu.memory_space<vmem>>, vector<4096x128xf32>
    %get3A_2 = arith.constant 0 : index
    %get3A_3 = arith.constant 0 : index
    %get3A_4 = vector.load %arg1[%get3A_2, %get3A_3] : memref<4096x128xf32, #tpu.memory_space<vmem>>, vector<4096x128xf32>
    %get3A_5 = arith.constant 0 : index
    %get3A_6 = arith.constant 0 : index
    %get3A_7 = vector.load %arg2[%get3A_5, %get3A_6] : memref<4096x128xf32, #tpu.memory_space<vmem>>, vector<4096x128xf32>
    %slice3A = vector.extract_strided_slice %get3A_1 {offsets = [0, 0], sizes = [4096, 64], strides = [1, 1]} : vector<4096x128xf32> to vector<4096x64xf32>
    %slice3A_8 = vector.extract_strided_slice %get3A_1 {offsets = [0, 64], sizes = [4096, 64], strides = [1, 1]} : vector<4096x128xf32> to vector<4096x64xf32>
    %slice3A_9 = vector.extract_strided_slice %get3A_4 {offsets = [0, 0], sizes = [4096, 64], strides = [1, 1]} : vector<4096x128xf32> to vector<4096x64xf32>
    %slice3A_10 = vector.extract_strided_slice %get3A_4 {offsets = [0, 64], sizes = [4096, 64], strides = [1, 1]} : vector<4096x128xf32> to vector<4096x64xf32>
    %slice3A_11 = vector.extract_strided_slice %get3A_7 {offsets = [0, 0], sizes = [4096, 64], strides = [1, 1]} : vector<4096x128xf32> to vector<4096x64xf32>
    %slice3A_12 = vector.extract_strided_slice %get3A_7 {offsets = [0, 64], sizes = [4096, 64], strides = [1, 1]} : vector<4096x128xf32> to vector<4096x64xf32>
    %mul3A = arith.mulf %slice3A_11, %slice3A : vector<4096x64xf32>
    %mul3A_13 = arith.mulf %mul3A, %slice3A_9 : vector<4096x64xf32>
    %mul3A_14 = arith.mulf %slice3A_11, %slice3A_8 : vector<4096x64xf32>
    %mul3A_15 = arith.mulf %mul3A_14, %slice3A_10 : vector<4096x64xf32>
    %add3A = arith.addf %mul3A_13, %mul3A_15 : vector<4096x64xf32>
    %mul3A_16 = arith.mulf %slice3A_12, %slice3A : vector<4096x64xf32>
    %mul3A_17 = arith.mulf %mul3A_16, %slice3A_10 : vector<4096x64xf32>
    %add3A_18 = arith.addf %add3A, %mul3A_17 : vector<4096x64xf32>
    %mul3A_19 = arith.mulf %slice3A_12, %slice3A_8 : vector<4096x64xf32>
    %mul3A_20 = arith.mulf %mul3A_19, %slice3A_9 : vector<4096x64xf32>
    %sub3A = arith.subf %add3A_18, %mul3A_20 : vector<4096x64xf32>
    %reduce_sum3A = arith.constant dense<0.000000e+00> : vector<4096xf32>
    %reduce_sum3A_21 = vector.multi_reduction <add>, %sub3A, %reduce_sum3A [1] : vector<4096x64xf32> to vector<4096xf32>
    %mul3A_22 = arith.mulf %get3A_1, %get3A_1 : vector<4096x128xf32>
    %reduce_sum3A_23 = vector.shape_cast %mul3A_22 : vector<4096x128xf32> to vector<1x4096x128xf32>
    %reduce_sum3A_24 = arith.constant dense<0.000000e+00> : vector<1xf32>
    %reduce_sum3A_25 = vector.multi_reduction <add>, %reduce_sum3A_23, %reduce_sum3A_24 [1, 2] : vector<1x4096x128xf32> to vector<1xf32>
    %reduce_sum3A_26 = vector.shape_cast %reduce_sum3A_25 : vector<1xf32> to vector<1x1x1xf32>
    %reduce_sum3A_27 = vector.extract %reduce_sum3A_26[0, 0, 0] : f32 from vector<1x1x1xf32>
    %div3A = arith.constant 5.242880e+05 : f32
    %div3A_28 = arith.divf %reduce_sum3A_27, %div3A : f32
    %mul3A_29 = arith.mulf %get3A_4, %get3A_4 : vector<4096x128xf32>
    %reduce_sum3A_30 = vector.shape_cast %mul3A_29 : vector<4096x128xf32> to vector<1x4096x128xf32>
    %reduce_sum3A_31 = arith.constant dense<0.000000e+00> : vector<1xf32>
    %reduce_sum3A_32 = vector.multi_reduction <add>, %reduce_sum3A_30, %reduce_sum3A_31 [1, 2] : vector<1x4096x128xf32> to vector<1xf32>
    %reduce_sum3A_33 = vector.shape_cast %reduce_sum3A_32 : vector<1xf32> to vector<1x1x1xf32>
    %reduce_sum3A_34 = vector.extract %reduce_sum3A_33[0, 0, 0] : f32 from vector<1x1x1xf32>
    %div3A_35 = arith.constant 5.242880e+05 : f32
    %div3A_36 = arith.divf %reduce_sum3A_34, %div3A_35 : f32
    %add3A_37 = arith.addf %div3A_28, %div3A_36 : f32
    %mul3A_38 = arith.mulf %get3A_7, %get3A_7 : vector<4096x128xf32>
    %reduce_sum3A_39 = vector.shape_cast %mul3A_38 : vector<4096x128xf32> to vector<1x4096x128xf32>
    %reduce_sum3A_40 = arith.constant dense<0.000000e+00> : vector<1xf32>
    %reduce_sum3A_41 = vector.multi_reduction <add>, %reduce_sum3A_39, %reduce_sum3A_40 [1, 2] : vector<1x4096x128xf32> to vector<1xf32>
    %reduce_sum3A_42 = vector.shape_cast %reduce_sum3A_41 : vector<1xf32> to vector<1x1x1xf32>
    %reduce_sum3A_43 = vector.extract %reduce_sum3A_42[0, 0, 0] : f32 from vector<1x1x1xf32>
    %div3A_44 = arith.constant 5.242880e+05 : f32
    %div3A_45 = arith.divf %reduce_sum3A_43, %div3A_44 : f32
    %add3A_46 = arith.addf %add3A_37, %div3A_45 : f32
    %div3A_47 = arith.constant 3.000000e+00 : f32
    %div3A_48 = arith.divf %add3A_46, %div3A_47 : f32
    %iota3A = tpu.iota {dimensions = array<i32: 0>} : vector<1024x64xi32>
    %iota3A_49 = tpu.iota {dimensions = array<i32: 1>} : vector<1024x64xi32>
    %jit3A = arith.constant 16 : i32
    %div3A_50 = vector.broadcast %jit3A : i32 to vector<1024x64xi32>
    %div3A_51 = arith.divsi %iota3A, %div3A_50 : vector<1024x64xi32>
    %sign3A = arith.constant 0 : i32
    %sign3A_52 = vector.broadcast %sign3A : i32 to vector<1024x64xi32>
    %sign3A_53 = arith.cmpi sgt, %iota3A, %sign3A_52 : vector<1024x64xi32>
    %sign3A_54 = arith.extui %sign3A_53 : vector<1024x64xi1> to vector<1024x64xi32>
    %sign3A_55 = arith.constant 0 : i32
    %sign3A_56 = vector.broadcast %sign3A_55 : i32 to vector<1024x64xi32>
    %sign3A_57 = arith.cmpi slt, %iota3A, %sign3A_56 : vector<1024x64xi32>
    %sign3A_58 = arith.extui %sign3A_57 : vector<1024x64xi1> to vector<1024x64xi32>
    %sign3A_59 = arith.subi %sign3A_54, %sign3A_58 : vector<1024x64xi32>
    %sign3A_60 = arith.constant 0 : i32
    %sign3A_61 = arith.cmpi sgt, %jit3A, %sign3A_60 : i32
    %sign3A_62 = arith.extui %sign3A_61 : i1 to i32
    %sign3A_63 = arith.constant 0 : i32
    %sign3A_64 = arith.cmpi slt, %jit3A, %sign3A_63 : i32
    %sign3A_65 = arith.extui %sign3A_64 : i1 to i32
    %sign3A_66 = arith.subi %sign3A_62, %sign3A_65 : i32
    %ne3A = vector.broadcast %sign3A_66 : i32 to vector<1024x64xi32>
    %ne3A_67 = arith.cmpi ne, %sign3A_59, %ne3A : vector<1024x64xi32>
    %rem3A = vector.broadcast %jit3A : i32 to vector<1024x64xi32>
    %rem3A_68 = arith.remsi %iota3A, %rem3A : vector<1024x64xi32>
    %ne3A_69 = arith.constant 0 : i32
    %ne3A_70 = vector.broadcast %ne3A_69 : i32 to vector<1024x64xi32>
    %ne3A_71 = arith.cmpi ne, %rem3A_68, %ne3A_70 : vector<1024x64xi32>
    %and3A = arith.andi %ne3A_67, %ne3A_71 : vector<1024x64xi1>
    %sub3A_72 = arith.constant 1 : i32
    %sub3A_73 = vector.broadcast %sub3A_72 : i32 to vector<1024x64xi32>
    %sub3A_74 = arith.subi %div3A_51, %sub3A_73 : vector<1024x64xi32>
    %select_n3A = arith.select %and3A, %sub3A_74, %div3A_51 : vector<1024x64xi1>, vector<1024x64xi32>
    %eq3A = arith.cmpi eq, %select_n3A, %iota3A_49 : vector<1024x64xi32>
    %jit3A_75 = arith.constant 1.000000e+00 : f32
    %jit3A_76 = arith.constant 0.000000e+00 : f32
    %broadcast_in_dim3A = vector.broadcast %jit3A_75 : f32 to vector<1024x64xf32>
    %broadcast_in_dim3A_77 = vector.broadcast %jit3A_76 : f32 to vector<1024x64xf32>
    %select_n3A_78 = arith.select %eq3A, %broadcast_in_dim3A, %broadcast_in_dim3A_77 : vector<1024x64xi1>, vector<1024x64xf32>
    %get3A_79 = arith.constant 0 : index
    %get3A_80 = arith.constant 0 : index
    %get3A_81 = vector.load %arg3[%get3A_79, %get3A_80] : memref<4096x1024xf32, #tpu.memory_space<vmem>>, vector<4096x1024xf32>
    %dot_general3A = arith.constant dense<0.000000e+00> : vector<4096x64xf32>
    %dot_general3A_82 = tpu.matmul %get3A_81, %select_n3A_78, %dot_general3A {dimension_numbers = #tpu.dot_dimension_numbers<[1], [0], [0], [1], [0, 0, 1, 1], [], []>, transpose_lhs_hint = false} : vector<4096x1024xf32>, vector<1024x64xf32>, vector<4096x64xf32> -> vector<4096x64xf32>
    %neg3A = arith.constant 0.000000e+00 : f32
    %neg3A_83 = vector.broadcast %neg3A : f32 to vector<4096xf32>
    %neg3A_84 = arith.subf %neg3A_83, %reduce_sum3A_21 : vector<4096xf32>
    %max3A = arith.constant 0.000000e+00 : f32
    %max3A_85 = vector.broadcast %max3A : f32 to vector<4096xf32>
    %max3A_86 = arith.maximumf %neg3A_84, %max3A_85 : vector<4096xf32>
    %abs3A = math.absf %neg3A_84 : vector<4096xf32>
    %neg3A_87 = arith.constant 0.000000e+00 : f32
    %neg3A_88 = vector.broadcast %neg3A_87 : f32 to vector<4096xf32>
    %neg3A_89 = arith.subf %neg3A_88, %abs3A : vector<4096xf32>
    %exp3A = math.exp %neg3A_89 : vector<4096xf32>
    %log1p3A = math.log1p %exp3A : vector<4096xf32>
    %add3A_90 = arith.addf %max3A_86, %log1p3A : vector<4096xf32>
    %reduce_sum3A_91 = vector.shape_cast %add3A_90 : vector<4096xf32> to vector<1x4096xf32>
    %reduce_sum3A_92 = arith.constant dense<0.000000e+00> : vector<1xf32>
    %reduce_sum3A_93 = vector.multi_reduction <add>, %reduce_sum3A_91, %reduce_sum3A_92 [1] : vector<1x4096xf32> to vector<1xf32>
    %reduce_sum3A_94 = vector.shape_cast %reduce_sum3A_93 : vector<1xf32> to vector<1x1xf32>
    %reduce_sum3A_95 = vector.extract %reduce_sum3A_94[0, 0] : f32 from vector<1x1xf32>
    %div3A_96 = arith.constant 4.096000e+03 : f32
    %div3A_97 = arith.divf %reduce_sum3A_95, %div3A_96 : f32
    %max3A_98 = arith.constant 0.000000e+00 : f32
    %max3A_99 = vector.broadcast %max3A_98 : f32 to vector<4096x64xf32>
    %max3A_100 = arith.maximumf %dot_general3A_82, %max3A_99 : vector<4096x64xf32>
    %abs3A_101 = math.absf %dot_general3A_82 : vector<4096x64xf32>
    %neg3A_102 = arith.constant 0.000000e+00 : f32
    %neg3A_103 = vector.broadcast %neg3A_102 : f32 to vector<4096x64xf32>
    %neg3A_104 = arith.subf %neg3A_103, %abs3A_101 : vector<4096x64xf32>
    %exp3A_105 = math.exp %neg3A_104 : vector<4096x64xf32>
    %log1p3A_106 = math.log1p %exp3A_105 : vector<4096x64xf32>
    %add3A_107 = arith.addf %max3A_100, %log1p3A_106 : vector<4096x64xf32>
    %reduce_sum3A_108 = vector.shape_cast %add3A_107 : vector<4096x64xf32> to vector<1x4096x64xf32>
    %reduce_sum3A_109 = arith.constant dense<0.000000e+00> : vector<1xf32>
    %reduce_sum3A_110 = vector.multi_reduction <add>, %reduce_sum3A_108, %reduce_sum3A_109 [1, 2] : vector<1x4096x64xf32> to vector<1xf32>
    %reduce_sum3A_111 = vector.shape_cast %reduce_sum3A_110 : vector<1xf32> to vector<1x1x1xf32>
    %reduce_sum3A_112 = vector.extract %reduce_sum3A_111[0, 0, 0] : f32 from vector<1x1x1xf32>
    %div3A_113 = arith.constant 2.621440e+05 : f32
    %div3A_114 = arith.divf %reduce_sum3A_112, %div3A_113 : f32
    %add3A_115 = arith.addf %div3A_97, %div3A_114 : f32
    %div3A_116 = arith.constant 2.000000e+00 : f32
    %div3A_117 = arith.divf %add3A_115, %div3A_116 : f32
    %mul3A_118 = arith.constant 0.00999999977 : f32
    %mul3A_119 = arith.mulf %mul3A_118, %div3A_48 : f32
    %add3A_120 = arith.addf %div3A_117, %mul3A_119 : f32
    %broadcast_in_dim3A_121 = vector.broadcast %add3A_120 : f32 to vector<1x1xf32>
    %swap3A = arith.constant 0 : index
    %swap3A_122 = arith.constant 0 : index
    %swap3A_123 = vector.load %arg4[%swap3A, %swap3A_122] : memref<1x1xf32, #tpu.memory_space<vmem>>, vector<1x1xf32>
    tpu.vector_store %arg4[%swap3A, %swap3A_122], %broadcast_in_dim3A_121 {strides = array<i32>} : memref<1x1xf32, #tpu.memory_space<vmem>>, vector<1x1xf32>,
    return
  }
}

</mosaic_0001>

<sc_bundles>
// kernel: kernel.4.cloned.1.call-start
scs
__scs_entry_jumppad:
0x0: {  	(pc) =	sbr.rel $0x88, $3  }
0x1: {  	(tag) =	ssettag $0x0;
	lr =	simm.s32 $0x1  }
0x2: {  	[smem:$0x3F9D] =	sst lr;
	_ =	strace $0xD0000000  }
0x3: {  	_ = 	snop  }
0x4: {  	_ = 	snop  }
0x5: {  	_ = 	snop  }
0x6: {  	_ = 	snop  }
0x7: {  	_ = 	snop  }
__scs_overlays_trampoline_lowered:
0x8: {  	[smem:$0x3FAC] =	sst s0  }
0x9: {  	[smem:$0x3FAD] =	sst s1  }
0xa: {  	[smem:$0x3FAE] =	sst s2  }
0xb: {  	[smem:$0x3FAF] =	sst s3  }
0xc: {  	[smem:$0x3FB0] =	sst s4  }
0xd: {  	[smem:$0x3FB1] =	sst s5  }
0xe: {  	[smem:$0x3FB2] =	sst s6  }
0xf: {  	[smem:$0x3FB3] =	sst s7  }
0x10: {  	[smem:$0x3FB4] =	sst s8  }
0x11: {  	[smem:$0x3FB5] =	sst s9;
	s0 =	simm.s32 @!p0 $0x0  }
0x12: {  	s1 =	sld [smem:$0x3F9B];
	s0 =	simm.s32 @p0 $0x1  }
0x13: {  	[smem:$0x3FB6] =	sst s0;
	s0 =	simm.s32 @!p1 $0x0  }
0x14: {  	s2 =	sld [smem:$0x3F9A];
	s0 =	simm.s32 @p1 $0x1  }
0x15: {  	[smem:$0x3FB7] =	sst s0;
	s0 =	simm.s32 @!p2 $0x0  }
0x16: {  	s3 =	sld [smem:$0x3FDB];
	s0 =	simm.s32 @p2 $0x1  }
0x17: {  	s4 =	simm.s32 $0x1BF5;
	[smem:$0x3FB9] =	sst s0  }
0x18: {  	s0 =	sld [smem:$0x3F9C];
	_ =	swait.ge [sflag:s4], $0x0  }
0x19: {  	s7 =	sld [smem:$0x3F9D]  }
0x1a: {  	s8 =	sadd.s32 $0xFFFFE003, lr  }
0x1b: {  	s9 =	sadd.s32 $0xFFFFFEF7, lr;
	s5 =	simm.s32 $0xFFFFFFFF;
	p2 =	slt.u32 s8, $0xFFFFF086  }
0x1c: {  	p1 =	slt.u32 s9, $0xF7A;
	s5 =	simm.s32 @!p2 $0x0  }
0x1d: {  	s5 =	simm.s32 @p1 $0x1;
	p0 =	seq.s32 s7, s2  }
0x1e: {  	s7 =	smul.u32 @!p0 $0xF7A, s2;
	p2 =	seq.s32 @!p0 s5, $0x0  }
0x1f: {  	s9 =	smul.u32 $0xF7A, s1;
	s8 =	simm.s32 @!p0 $0x1BF5;
	p2 =	por !p2, p0  }
0x20: {  	[sflag:s8] =	ssyncset.s32 @!p0 $0xFFFFF086;
	s6 =	sadd.s32 @!p0 s3, s7;
	s7 =	simm.s32 @!p0 $0x108  }
0x21: {  	s3 =	sadd.s32 s3, s9;
	s6 =	sadd.s32 @!p0 $0x88, s6;
	s7 =	simm.s32 @p2 $0x1082  }
0x22: {  	[simem:s7], [sflag:s8] =	dma.local @!p0 [hbm:s6], $0xF7A  }
0x23: {  	s9 =	sor.u32 $0xD0000000, s2;
	s6 =	simm.s32 $0x108;
	_ =	swait.ge @!p0 [sflag:s8], $0x0  }
0x24: {  	s3 =	sadd.s32 $0x88, s3;
	s6 =	simm.s32 @!p1 $0x1082;
	[sflag:s4] =	ssyncset.s32 $0xFFFFF086  }
0x25: {  	[simem:s6], [sflag:s4] =	dma.local [hbm:s3], $0xF7A  }
0x26: {  	[smem:$0x3F9D] =	sst s1;
	(tag) =	ssettag s2;
	_ =	strace s9  }
0x27: {  	s1 =	sld [smem:$0x3FAD]  }
0x28: {  	s2 =	sld [smem:$0x3FAE]  }
0x29: {  	s4 =	sld [smem:$0x3FB0]  }
0x2a: {  	p0 =	seq.s32 s5, $0x0;
	s5 =	sld [smem:$0x3FB1]  }
0x2b: {  	s6 =	sld [smem:$0x3FB2]  }
0x2c: {  	s7 =	sld [smem:$0x3FB3]  }
0x2d: {  	s3 =	simm.s32 $0x108;
	s8 =	sld [smem:$0x3FB4]  }
0x2e: {  	s3 =	simm.s32 @!p0 $0x1082;
	s9 =	sld [smem:$0x3FB5]  }
0x2f: {  	lr =	sadd.s32 s0, s3;
	s0 =	sld [smem:$0x3FAC]  }
0x30: {  	s3 =	sld [smem:$0x3FAF]  }
0x31: {  	[smem:$0x3FB8] =	sst s10  }
0x32: {  	s10 =	sld [smem:$0x3FB6];
	_ =	sdelay $0x3  }
0x33: {  	p0 =	seq.s32 s10, $0x1;
	s10 =	sld [smem:$0x3FB8];
	_ =	sdelay $0x3  }
0x34: {  	[smem:$0x3FB8] =	sst s10  }
0x35: {  	s10 =	sld [smem:$0x3FB7];
	_ =	sdelay $0x3  }
0x36: {  	p1 =	seq.s32 s10, $0x1;
	s10 =	sld [smem:$0x3FB8];
	_ =	sdelay $0x3  }
0x37: {  	[smem:$0x3FB8] =	sst s10  }
0x38: {  	s10 =	sld [smem:$0x3FB9]  }
0x39: {  	_ = 	snop;
	(pc) =	sbr.ind lr, $3  }
0x3a: {  	_ = 	snop  }
0x3b: {  	_ = 	snop  }
0x3c: {  	p2 =	seq.s32 s10, $0x1;
	s10 =	sld [smem:$0x3FB8]  }
0x3d: {  	_ =	shalt  }
0x3e: {  	_ =	shalt  }
0x3f: {  	_ =	shalt  }
0x40: {  	_ =	shalt  }
0x41: {  	_ =	shalt  }
0x42: {  	_ =	shalt  }
0x43: {  	_ =	shalt  }
0x44: {  	_ =	shalt  }
0x45: {  	_ =	shalt  }
0x46: {  	_ =	shalt  }
0x47: {  	_ =	shalt  }
0x48: {  	_ =	shalt  }
0x49: {  	_ =	shalt  }
0x4a: {  	_ =	shalt  }
0x4b: {  	_ =	shalt  }
0x4c: {  	_ =	shalt  }
0x4d: {  	_ =	shalt  }
0x4e: {  	_ =	shalt  }
0x4f: {  	_ =	shalt  }
0x50: {  	_ =	shalt  }
0x51: {  	_ =	shalt  }
0x52: {  	_ =	shalt  }
0x53: {  	_ =	shalt  }
0x54: {  	_ =	shalt  }
0x55: {  	_ =	shalt  }
0x56: {  	_ =	shalt  }
0x57: {  	_ =	shalt  }
0x58: {  	_ =	shalt  }
0x59: {  	_ =	shalt  }
0x5a: {  	_ =	shalt  }
0x5b: {  	_ =	shalt  }
0x5c: {  	_ =	shalt  }
0x5d: {  	_ =	shalt  }
0x5e: {  	_ =	shalt  }
0x5f: {  	_ =	shalt  }
0x60: {  	_ =	shalt  }
0x61: {  	_ =	shalt  }
0x62: {  	_ =	shalt  }
0x63: {  	_ =	shalt  }
0x64: {  	_ =	shalt  }
0x65: {  	_ =	shalt  }
0x66: {  	_ =	shalt  }
0x67: {  	_ =	shalt  }
0x68: {  	_ =	shalt  }
0x69: {  	_ =	shalt  }
0x6a: {  	_ =	shalt  }
0x6b: {  	_ =	shalt  }
0x6c: {  	_ =	shalt  }
0x6d: {  	_ =	shalt  }
0x6e: {  	_ =	shalt  }
0x6f: {  	_ =	shalt  }
0x70: {  	_ =	shalt  }
0x71: {  	_ =	shalt  }
0x72: {  	_ =	shalt  }
0x73: {  	_ =	shalt  }
0x74: {  	_ =	shalt  }
0x75: {  	_ =	shalt  }
0x76: {  	_ =	shalt  }
0x77: {  	_ =	shalt  }
0x78: {  	_ =	shalt  }
0x79: {  	_ =	shalt  }
0x7a: {  	_ =	shalt  }
0x7b: {  	_ =	shalt  }
0x7c: {  	_ =	shalt  }
0x7d: {  	_ =	shalt  }
0x7e: {  	_ =	shalt  }
0x7f: {  	_ =	shalt  }
0x80: {  	_ =	shalt  }
0x81: {  	_ =	shalt  }
0x82: {  	_ =	shalt  }
0x83: {  	_ =	shalt  }
0x84: {  	_ =	shalt  }
0x85: {  	_ =	shalt  }
0x86: {  	_ =	shalt  }
0x87: {  	_ =	shalt  }
.Lfunc_end0:
.L_simem_size_0:
called_computation_lowered:
.L_overlay_start_0:
0x88: {  	s2 =	sld [smem:$0x3FD9]  }
0x89: {  	s3 =	sld [smem:$0x3FFE];
	_ =	sdelay $0x1  }
0x8a: {  	s1 =	srdreg.scid  }
0x8b: {  	s0 =	sand.u32 $0x1, s1  }
0x8c: {  	s17 =	sshll.u32 s0, $0xA;
	s2 =	sadd.s32 s3, s2  }
0x8d: {  	s2 =	sadd.s32 s2, s17  }
0x8e: {  	[smem:$0x3FC4] =	sst s2  }
0x8f: {  	_ = 	snop  }
0x90: {  	s2 =	sld [smem:$0x3FC9]  }
0x91: {  	s18 =	sld [smem:$0x3FC8]  }
0x92: {  	s4 =	sld [smem:$0x3FC7];
	(tm) =	ssettm $0x1  }
0x93: {  	s5 =	sld [smem:$0x3FFB];
	_ =	sdelay $0x3  }
0x94: {  	_ =	strace s5  }
0x95: {  	s5 =	sld [smem:$0x3FFC];
	_ =	sdelay $0x3  }
0x96: {  	_ =	strace s5  }
0x97: {  	s5 =	sld [smem:$0x3FFD];
	_ =	sdelay $0x3  }
0x98: {  	_ =	strace s5  }
0x99: {  	_ =	strace $0x8FFFFFFF  }
0x9a: {  	s19 =	sld [smem:$0x3FDB];
	_ =	sdelay $0x1  }
0x9b: {  	s6 =	simm.s32 $_scs_section_size  }
0x9c: {  	s7 =	simm.s32 $_size__tile_overlayer_lowered;
	s8 =	simm.s32 $_tile_overlayer_lowered  }
0x9d: {  	s22 =	simm.s32 $0x1BFF;
	s21 =	sshll.u32 s8, $0x1;
	s5 =	sadd.s32 s6, s19  }
0x9e: {  	s9 =	simm.s32 $0x0;
	s20 =	sshll.u32 s7, $0x1;
	s7 =	sadd.s32 s21, s5  }
0x9f: {  	[timem:s9], [sflag:s22] =	dma.local [hbm:s7], s20  }
0xa0: {  	_ =	swait.ge [sflag:s22], s20  }
0xa1: {  	s6 =	ssub.s32 $0x0, s20;
	[sflag:s22] =	ssyncset.done $0x0  }
0xa2: {  	[sflag:s22] =	ssyncadd.s32 s6;
	_ =	sdelay $0x1  }
0xa3: {  	s23 =	simm.s32 $0x1B8B  }
0xa4: {  	_ =	swait.ge [sflag:s23], $0x1  }
0xa5: {  	[sflag:s23] =	ssyncset.done $0x0  }
0xa6: {  	s25 =	simm.s32 $0x1B8E;
	s24 =	sld [smem:$0x3FFE];
	[sflag:s23] =	ssyncadd.s32 $0xFFFFFFFF  }
0xa7: {  	s26 =	simm.s32 $execute0_lowered;
	[smem:$0x3FD2] =	sst s25  }
0xa8: {  	s7 =	sshll.u32 s26, $0x1;
	_ =	strace $0x80000046;
	[dreg:$0x1] =	wrdreg $0xFFFFFFFF  }
0xa9: {  	s28 =	simm.s32 $_size_execute0_lowered;
	s5 =	sadd.s32 s5, s7;
	[dreg:$0x0] =	wrdreg $0x0  }
0xaa: {  	s7 =	sshll.u32 s28, $0x1;
	[dreg:$0x2] =	wrdreg s5  }
0xab: {  	[dreg:$0x3] =	wrdreg s7  }
0xac: {  	[dreg:$0x4] =	wrdreg $0xC0  }
0xad: {  	_ =	task [dreg:s9], $0x5FFFF  }
0xae: {  	[dreg:$0x1] =	wrdreg $0xFFFFFFFF  }
0xaf: {  	[dreg:$0x0] =	wrdreg $0x60  }
0xb0: {  	[dreg:$0x2] =	wrdreg s2  }
0xb1: {  	[dreg:$0x3] =	wrdreg s24  }
0xb2: {  	[dreg:$0x4] =	wrdreg s4  }
0xb3: {  	[dreg:$0x5] =	wrdreg s18  }
0xb4: {  	[dreg:$0x6] =	wrdreg $0x9  }
0xb5: {  	_ =	task.clear_ibuf [dreg:s9], $0x7FFFF;
	_ =	strace $0x90000046  }
0xb6: {  	s29 =	simm.s32 $0x9;
	_ =	strace $0x80000048  }
0xb7: {  	_ =	swait.ge [sflag:s29], $0x1  }
0xb8: {  	[sflag:s29] =	ssyncadd.s32 $0xFFFFFFFF  }
0xb9: {  	_ =	strace $0x90000048  }
0xba: {  	_ =	sfence  }
0xbb: {  	s30 =	sld [smem:$0x0];
	_ =	sdelay $0x2  }
0xbc: {  	s31 =	sshll.u32 s1, $0xD;
	s1 =	sshrl.u32 s1, $0x2  }
0xbd: {  	s3 =	sand.u32 $0x4000, s31;
	s1 =	sadd.s32 s1, s30  }
0xbe: {  	s0 =	sor.u32 s3, s0;
	s1 =	sshll.u32 s1, $0x11  }
0xbf: {  	s0 =	sor.u32 s1, s0  }
0xc0: {  	s0 =	sadd.s32 $0x8F2B, s0  }
0xc1: {  	[sflag:s0] =	ssyncadd.remote.s32 $0x1  }
0xc2: {  	_ =	sfence.sel $0xFFFF  }
0xc3: {  	[dreg:$0x0] =	wrdreg $0xFFFFFFFF;
	(pc) =	sbr.abs _section_cstart, $3  }
0xc4: {  	[dreg:$0x1] =	wrdreg $0xFFFFFFFF  }
0xc5: {  	_ =	task.clear_ibuf [dreg:s9], $0x2FFFF;
	_ =	strace $0x9FFFFFFF  }
0xc6: {  	(tm) =	ssettm $0x7FFFFFFF  }
0xc7: {  	_ =	shalt  }
tec
execute0_lowered:
.L_overlay_start_1:
0x0: {  	(tag) =	ssettag $0x1  }
0x1: {  	s1 =	rddreg [dreg:$0x0]  }
0x2: {  	s0 =	rddreg [dreg:$0x1]  }
0x3: {  	s2 =	rddreg [dreg:$0x2]  }
0x4: {  	s3 =	srdreg.scid;
	s5 =	stileid.u32  }
0x5: {  	s4 =	simm.s32 $0x0;
	s11 =	simm.s32 $0x6;
	s12 =	simm.s32 $0x4400  }
0x6: {  	s13 =	simm.s32 $0x80;
	s14 =	simm.s32 $0x4480;
	s15 =	simm.s32 $0x1  }
0x7: {  	s16 =	simm.s32 $0x8480;
	s17 =	simm.s32 $0xC480;
	s18 =	simm.s32 $0x2  }
0x8: {  	s19 =	simm.s32 $0x400;
	s20 =	simm.s32 $0x10480;
	s21 =	simm.s32 $0x3  }
0x9: {  	s22 =	simm.s32 $0x10880;
	s23 =	simm.s32 $0x4;
	s24 =	simm.s32 $0x5  }
0xa: {  	s25 =	simm.s32 $0x0;
	s3 =	sand.u32 $0x1, s3;
	[smem:$0x7FF] =	sst s4  }
0xb: {  	s5 =	sshll.u32 s5, $0x8;
	s6 =	sshll.u32 s3, $0x7;
	_ =	strace $0x80000047  }
0xc: {  	s3 =	ssub.s32 $0x2, s3;
	s5 =	sor.u32 s6, s5;
	s6 =	sadd.s32 $0x20E00, s0  }
0xd: {  	s31 =	sshrl.u32 s3, $0x1;
	s7 =	sshll.u32 s5, $0x4;
	s8 =	sshrl.u32 s5, $0x3  }
0xe: {  	s3 =	ssub.s32 s3, s31;
	s0 =	sadd.s32 s7, s0;
	s8 =	sadd.s32 s2, s8  }
0xf: {  	v0 =	vimm.s32 $0x0;
	s10 =	smax.u32 s3, $0x1;
	s7 =	sadd.s32 $0xE00, s0;
	s9 =	sadd.s32 $0x10E00, s0  }
.LBB2_1:
0x10: {  	[tilespmem:s4], [sflag:$0x6] =	stream.linear.gather [hbm4b:s7+s4], $0x4000, $0x38;
	[tilespmem:$0x10C80] =	vst v63  }
0x11: {  	_ =	swait.ge [sflag:s11], $0x4000  }
0x12: {  	[sflag:s11] =	ssyncset.done $0x0  }
0x13: {  	[sflag:s11] =	ssyncadd.s32 $0xFFFFC000  }
0x14: {  	[tilespmem:$0x4000] =	vst v0  }
0x15: {  	[tilespmem:$0x4010] =	vst v0  }
0x16: {  	[tilespmem:$0x4020] =	vst v0  }
0x17: {  	[tilespmem:$0x4030] =	vst v0  }
0x18: {  	[tilespmem:$0x4040] =	vst v0  }
0x19: {  	[tilespmem:$0x4050] =	vst v0  }
0x1a: {  	[tilespmem:$0x4060] =	vst v0  }
0x1b: {  	[tilespmem:$0x4070] =	vst v0  }
0x1c: {  	[tilespmem:s12], [sflag:$0x6] =	stream.linear.gather [hbm4b:s8+s4], $0x80, $0x38;
	[tilespmem:$0x10C80] =	vst v63  }
0x1d: {  	_ =	swait.ge [sflag:s11], $0x80  }
0x1e: {  	[sflag:s11] =	ssyncset.done $0x0  }
0x1f: {  	[sflag:s11] =	ssyncadd.s32 $0xFFFFFF80  }
0x20: {  	s0 =	rddreg [dreg:$0x3]  }
0x21: {  	[tilespmem:s14], [sflag:$0x1] =	stream.indirect.gather [hbm4b:s0+s13], $0x80, s12, s13, $0xb8;
	[tilespmem:$0x10C80] =	vst v63  }
0x22: {  	_ =	swait.ge [sflag:s15], $0x4000  }
0x23: {  	[sflag:s15] =	ssyncset.done $0x0  }
0x24: {  	[sflag:s15] =	ssyncadd.s32 $0xFFFFC000  }
0x25: {  	[hbm4b:s9+s4] =	stream.linear.scatter [tilespmem:s14], [sflag:$0x6], $0x4000, $0x38;
	[tilespmem:$0x10C80] =	vst v63  }
0x26: {  	_ =	swait.ge [sflag:s11], $0x4000  }
0x27: {  	[sflag:s11] =	ssyncset.done $0x0  }
0x28: {  	s26 =	simm.s32 $0x0;
	[sflag:s11] =	ssyncadd.s32 $0xFFFFC000  }
0x29: {  	[tilespmem:s16], [sflag:$0x2] =	stream.indirect.gather [hbm4b:s1+s13], $0x80, s4, s13, $0xb8;
	[tilespmem:$0x10C80] =	vst v63  }
.LBB2_2:
0x2a: {  	s28 =	sshllo.u32 s26, $0x1  }
0x2b: {  	s29 =	sshll.u32 s28, $0x7  }
0x2c: {  	[tilespmem:s17], [sflag:$0x3] =	stream.indirect.gather [hbm4b:s1+s13], $0x80, s29, s13, $0xb8;
	[tilespmem:$0x10C80] =	vst v63  }
0x2d: {  	_ =	swait.ge [sflag:s18], $0x4000  }
0x2e: {  	p0 =	seq.s32 s26, $0x0;
	[sflag:s18] =	ssyncset.done $0x0  }
0x2f: {  	s0 =	simm.s32 @!p0 $0x4;
	[sflag:s18] =	ssyncadd.s32 $0xFFFFC000  }
0x30: {  	_ =	swait.ge @!p0 [sflag:s0], $0x400  }
0x31: {  	s2 =	sshll.u32 s26, $0xA;
	[sflag:s0] =	ssyncset.done @!p0 $0x0  }
0x32: {  	s31 =	sshrl.u32 s2, $0x2;
	[sflag:s0] =	ssyncadd.s32 @!p0 $0xFFFFFC00  }
0x33: {  	v1 =	vld [tilespmem:s31+$0x4480]  }
0x34: {  	v8 =	vld [tilespmem:s31+$0x4490]  }
0x35: {  	v4 =	vld [tilespmem:s31+$0x44A0]  }
0x36: {  	v3 =	vld [tilespmem:s31+$0x44B0]  }
0x37: {  	v2 =	vld [tilespmem:s31+$0x44C0]  }
0x38: {  	v7 =	vld [tilespmem:s31+$0x44D0]  }
0x39: {  	v6 =	vld [tilespmem:s31+$0x44E0]  }
0x3a: {  	s3 =	simm.s32 $0x8580;
	v5 =	vld [tilespmem:s31+$0x44F0]  }
0x3b: {  	v9 =	vld [tilespmem:s3+$0x0]  }
0x3c: {  	v10 =	vld [tilespmem:s3+$0x40]  }
0x3d: {  	v11 =	vld [tilespmem:s3+$0x80]  }
0x3e: {  	v12 =	vld [tilespmem:s3+$0xC0]  }
0x3f: {  	v13 =	vld [tilespmem:s3+$0x10]  }
0x40: {  	v14 =	vld [tilespmem:s3+$0x50]  }
0x41: {  	v15 =	vld [tilespmem:s3+$0x90]  }
0x42: {  	v16 =	vld [tilespmem:s3+$0xD0]  }
0x43: {  	v17 =	vld [tilespmem:s3+$0x20]  }
0x44: {  	v18 =	vld [tilespmem:s3+$0x60]  }
0x45: {  	v19 =	vld [tilespmem:s3+$0xA0]  }
0x46: {  	v20 =	vld [tilespmem:s3+$0xE0]  }
0x47: {  	v21 =	vld [tilespmem:s3+$0x30]  }
0x48: {  	v22 =	vld [tilespmem:s3+$0x70]  }
0x49: {  	v23 =	vld [tilespmem:s3+$0xB0]  }
0x4a: {  	v24 =	vld [tilespmem:s3+$0xF0]  }
0x4b: {  	v25 =	vld [tilespmem:s3+$0xFFFFFF40]  }
0x4c: {  	v26 =	vld [tilespmem:s3+$0xFFFFFF80]  }
0x4d: {  	v27 =	vld [tilespmem:s3+$0xFFFFFFC0]  }
0x4e: {  	v29 =	vld [tilespmem:s3+$0xFFFFFF10];
	v28 =	vmul.f32 v11, v9  }
0x4f: {  	v31 =	vld [tilespmem:s3+$0xFFFFFF90];
	v30 =	vmul.f32 v12, v10;
	v9 =	vmul.f32 v12, v9  }
0x50: {  	v33 =	vld [tilespmem:s3+$0xFFFFFF20];
	v10 =	vmul.f32 v11, v10;
	v11 =	vmul.f32 v15, v13  }
0x51: {  	v35 =	vld [tilespmem:s3+$0xFFFFFFA0];
	v32 =	vmul.f32 v16, v14;
	v13 =	vmul.f32 v16, v13  }
0x52: {  	v45 =	vld [tilespmem:s3+$0xFFFFFFE0];
	v14 =	vmul.f32 v15, v14;
	v15 =	vmul.f32 v19, v17  }
0x53: {  	v12 =	vld [tilespmem:s3+$0xFFFFFF50];
	v34 =	vmul.f32 v20, v18;
	v17 =	vmul.f32 v20, v17  }
0x54: {  	v16 =	vld [tilespmem:s3+$0xFFFFFFD0];
	v18 =	vmul.f32 v19, v18;
	v19 =	vmul.f32 v23, v21  }
0x55: {  	v20 =	vld [tilespmem:s3+$0xFFFFFF60];
	v36 =	vmul.f32 v27, v25;
	v28 =	vadd.f32 v30, v28;
	v9 =	vsub.f32 v9, v10  }
0x56: {  	v10 =	vmul.f32 v24, v22;
	v13 =	vsub.f32 v13, v14;
	v14 =	vmul.f32 v24, v21;
	v21 =	vld [tilespmem:s3+$0xFFFFFF30]  }
0x57: {  	v11 =	vadd.f32 v32, v11;
	v17 =	vsub.f32 v17, v18;
	v18 =	vmul.f32 v23, v22;
	v22 =	vld [tilespmem:s3+$0xFFFFFF70]  }
0x58: {  	v15 =	vadd.f32 v34, v15;
	v24 =	vld [tilespmem:s3+$0xFFFFFF00];
	v23 =	vmul.f32 v28, v1;
	v9 =	vmul.f32 v9, v2  }
0x59: {  	v10 =	vadd.f32 v10, v19;
	v19 =	vld [tilespmem:s3+$0xFFFFFFB0];
	v11 =	vmul.f32 v11, v8;
	v13 =	vmul.f32 v13, v7  }
0x5a: {  	v14 =	vsub.f32 v14, v18;
	v18 =	vld [tilespmem:s3+$0xFFFFFFF0];
	v15 =	vmul.f32 v15, v4;
	v17 =	vmul.f32 v17, v6;
	s3 =	simm.s32 $0x8780  }
0x5b: {  	v28 =	vld [tilespmem:s3+$0x0];
	v46 =	vmul.f32 v16, v12;
	v16 =	vmul.f32 v16, v29  }
0x5c: {  	v47 =	vld [tilespmem:s3+$0x40];
	v12 =	vmul.f32 v31, v12;
	v48 =	vmul.f32 v45, v20  }
0x5d: {  	v49 =	vld [tilespmem:s3+$0x10];
	v10 =	vmul.f32 v10, v3;
	v14 =	vmul.f32 v14, v5;
	v9 =	vadd.f32 v9, v23  }
0x5e: {  	v50 =	vld [tilespmem:s3+$0x50];
	v23 =	vmul.f32 v31, v29;
	v11 =	vadd.f32 v13, v11;
	v13 =	vmul.f32 v26, v25  }
0x5f: {  	v51 =	vld [tilespmem:s3+$0x90];
	v15 =	vadd.f32 v17, v15;
	v17 =	vmul.f32 v35, v33;
	v10 =	vadd.f32 v14, v10  }
0x60: {  	v25 =	vld [tilespmem:s3+$0x80];
	v14 =	vmul.f32 v45, v33;
	v9 =	vadd.f32 v11, v9;
	v11 =	vmul.f32 v35, v20  }
0x61: {  	v29 =	vld [tilespmem:s3+$0xC0];
	v12 =	vsub.f32 v16, v12;
	v20 =	vmul.f32 v19, v21;
	v16 =	vmul.f32 v19, v22  }
0x62: {  	v54 =	vld [tilespmem:s3+$0xB0];
	v23 =	vadd.f32 v46, v23;
	v19 =	vmul.f32 v18, v22;
	v18 =	vmul.f32 v18, v21  }
0x63: {  	v56 =	vld [tilespmem:s3+$0xFFFFFF10];
	v17 =	vadd.f32 v48, v17;
	v21 =	vmul.f32 v26, v24;
	v12 =	vmul.f32 v12, v7  }
0x64: {  	v22 =	vld [tilespmem:s3+$0xD0];
	v23 =	vmul.f32 v23, v8;
	v11 =	vsub.f32 v14, v11;
	v10 =	vadd.f32 v10, v15  }
0x65: {  	v26 =	vld [tilespmem:s3+$0x20];
	v14 =	vmul.f32 v27, v24;
	v19 =	vadd.f32 v19, v20;
	v16 =	vsub.f32 v18, v16  }
0x66: {  	v24 =	vld [tilespmem:s3+$0x70];
	v18 =	vadd.f32 v36, v21;
	v52 =	vmul.f32 v25, v28;
	v53 =	vmul.f32 v29, v47  }
0x67: {  	v20 =	vld [tilespmem:s3+$0x60];
	v25 =	vmul.f32 v25, v47;
	v13 =	vsub.f32 v14, v13;
	v14 =	vmul.f32 v17, v4  }
0x68: {  	v21 =	vld [tilespmem:s3+$0xA0];
	v11 =	vmul.f32 v11, v6;
	v12 =	vadd.f32 v12, v23;
	v23 =	vmul.f32 v29, v28  }
0x69: {  	v17 =	vld [tilespmem:s3+$0xE0];
	v27 =	vadd.f32 v10, v9;
	v15 =	vmul.f32 v19, v3;
	v18 =	vmul.f32 v18, v1  }
0x6a: {  	v28 =	vld [tilespmem:s3+$0xF0];
	v16 =	vmul.f32 v16, v5;
	v13 =	vmul.f32 v13, v2;
	v11 =	vadd.f32 v11, v14  }
0x6b: {  	v19 =	vld [tilespmem:s3+$0x30];
	v14 =	vmul.f32 v51, v49;
	v55 =	vmul.f32 v22, v50;
	v23 =	vsub.f32 v23, v25  }
0x6c: {  	v58 =	vld [tilespmem:s3+$0xFFFFFF50];
	v18 =	vadd.f32 v13, v18;
	v13 =	vmul.f32 v22, v49;
	v22 =	vmul.f32 v51, v50  }
0x6d: {  	v29 =	vld [tilespmem:s3+$0xFFFFFF40];
	v16 =	vadd.f32 v16, v15;
	v15 =	vmul.f32 v21, v26;
	v23 =	vmul.f32 v23, v2  }
0x6e: {  	v9 =	vld [tilespmem:s3+$0xFFFFFF80];
	v57 =	vadd.f32 v55, v14;
	v26 =	vmul.f32 v17, v26;
	v17 =	vmul.f32 v17, v20  }
0x6f: {  	v10 =	vld [tilespmem:s3+$0xFFFFFFC0];
	v20 =	vmul.f32 v21, v20;
	v21 =	vadd.f32 v53, v52;
	v14 =	vmul.f32 v28, v24  }
0x70: {  	v61 =	vadd.f32 v16, v11;
	v16 =	vld [tilespmem:s3+$0xFFFFFF30];
	v25 =	vmul.f32 v54, v19;
	v22 =	vsub.f32 v13, v22  }
0x71: {  	v19 =	vmul.f32 v28, v19;
	v28 =	vld [tilespmem:s3+$0xFFFFFF90];
	v17 =	vadd.f32 v17, v15;
	v15 =	vmul.f32 v54, v24  }
0x72: {  	v13 =	vld [tilespmem:s3+$0xFFFFFF20];
	v20 =	vsub.f32 v26, v20;
	v21 =	vmul.f32 v21, v1;
	v24 =	vadd.f32 v14, v25  }
0x73: {  	v26 =	vld [tilespmem:s3+$0xFFFFFFD0];
	v25 =	vmul.f32 v57, v8;
	v22 =	vmul.f32 v22, v7;
	v19 =	vsub.f32 v19, v15  }
0x74: {  	v59 =	vadd.f32 v12, v18;
	v18 =	vld [tilespmem:s3+$0xFFFFFFE0];
	v60 =	vmul.f32 v17, v4;
	v20 =	vmul.f32 v20, v6  }
0x75: {  	v15 =	vld [tilespmem:s3+$0xFFFFFFA0];
	v24 =	vmul.f32 v24, v3;
	v19 =	vmul.f32 v19, v5  }
0x76: {  	v11 =	vmul.f32 v10, v29;
	v14 =	vld [tilespmem:s3+$0xFFFFFF60];
	v23 =	vadd.f32 v23, v21;
	v25 =	vadd.f32 v22, v25  }
0x77: {  	v12 =	vmul.f32 v9, v29;
	v17 =	vld [tilespmem:s3+$0xFFFFFF70];
	v20 =	vadd.f32 v20, v60;
	v29 =	vadd.f32 v19, v24  }
0x78: {  	s30 =	simm.s32 $0x10490;
	v31 =	vadd.f32 v61, v59;
	v22 =	vld [tilespmem:s3+$0xFFFFFFB0];
	v62 =	vmul.f32 v28, v56;
	v63 =	vmul.f32 v26, v58  }
0x79: {  	[tilespmem:s30+$0x0] =	vst v27;
	v21 =	vld [tilespmem:s3+$0xFFFFFFF0];
	v24 =	vmul.f32 v26, v56;
	v19 =	vadd.f32 v25, v23;
	v20 =	vadd.f32 v29, v20  }
0x7a: {  	s2 =	simm.s32 $0x2;
	s0 =	sshll.u32 s26, $0x1;
	[tilespmem:s30+$0xFFFFFFF0] =	vst v31;
	v23 =	vld [tilespmem:s3+$0xFFFFFF00];
	v26 =	vmul.f32 v28, v58;
	s3 =	simm.s32 $0x8980;
	v27 =	vadd.f32 v63, v62;
	v25 =	vmul.f32 v15, v13  }
.LBB2_3:
0x7b: {  	v28 =	vld [tilespmem:s3+$0x0];
	v29 =	vmul.f32 v18, v14;
	v13 =	vmul.f32 v18, v13;
	v18 =	vadd.f32 v20, v19  }
0x7c: {  	v14 =	vmul.f32 v15, v14;
	s30 =	sadd.s32 $0x20, s30;
	v19 =	vld [tilespmem:s3+$0x40];
	v20 =	vsub.f32 v24, v26;
	v24 =	vmul.f32 v27, v8  }
0x7d: {  	v15 =	vld [tilespmem:s3+$0x80];
	v25 =	vadd.f32 v29, v25;
	v26 =	vmul.f32 v22, v16;
	v22 =	vmul.f32 v22, v17;
	[tilespmem:s30+$0x0] =	vst v18  }
0x7e: {  	v13 =	vsub.f32 v13, v14;
	v18 =	vld [tilespmem:s3+$0xC0];
	v14 =	vmul.f32 v21, v17;
	v16 =	vmul.f32 v21, v16  }
0x7f: {  	v17 =	vld [tilespmem:s3+$0x10];
	v9 =	vmul.f32 v9, v23;
	v10 =	vmul.f32 v10, v23  }
0x80: {  	v20 =	vmul.f32 v20, v7;
	v21 =	vld [tilespmem:s3+$0x50];
	v14 =	vadd.f32 v14, v26;
	v16 =	vsub.f32 v16, v22  }
0x81: {  	v22 =	vld [tilespmem:s3+$0x90];
	v9 =	vadd.f32 v11, v9;
	v10 =	vsub.f32 v10, v12;
	v11 =	vmul.f32 v25, v4  }
0x82: {  	v13 =	vmul.f32 v13, v6;
	v20 =	vadd.f32 v20, v24;
	v12 =	vld [tilespmem:s3+$0xD0];
	v14 =	vmul.f32 v14, v3  }
0x83: {  	v23 =	vld [tilespmem:s3+$0x20];
	v9 =	vmul.f32 v9, v1;
	v10 =	vmul.f32 v10, v2  }
0x84: {  	v11 =	vadd.f32 v13, v11;
	v13 =	vmul.f32 v16, v5;
	v24 =	vld [tilespmem:s3+$0x60]  }
0x85: {  	v16 =	vld [tilespmem:s3+$0xA0];
	v9 =	vadd.f32 v10, v9  }
0x86: {  	v10 =	vadd.f32 v13, v14;
	v25 =	vld [tilespmem:s3+$0xE0]  }
0x87: {  	v13 =	vld [tilespmem:s3+$0x30];
	v9 =	vadd.f32 v20, v9  }
0x88: {  	v14 =	vmul.f32 v15, v28;
	v10 =	vadd.f32 v10, v11;
	v20 =	vld [tilespmem:s3+$0x70]  }
0x89: {  	v11 =	vmul.f32 v18, v19;
	v18 =	vmul.f32 v18, v28;
	v26 =	vld [tilespmem:s3+$0xB0]  }
0x8a: {  	v15 =	vmul.f32 v15, v19;
	v19 =	vmul.f32 v22, v17;
	v10 =	vadd.f32 v10, v9;
	v27 =	vld [tilespmem:s3+$0xF0]  }
0x8b: {  	v29 =	vmul.f32 v12, v21;
	v12 =	vmul.f32 v12, v17;
	v28 =	vld [tilespmem:s3+$0xFFFFFF40]  }
0x8c: {  	s2 =	sadd.s32 $0x2, s2;
	v17 =	vmul.f32 v22, v21;
	v21 =	vmul.f32 v16, v23;
	v9 =	vld [tilespmem:s3+$0xFFFFFF80];
	[tilespmem:s30+$0xFFFFFFF0] =	vst v10  }
0x8d: {  	p1 =	slt.u32 s2, $0x3E;
	v22 =	vmul.f32 v25, v24;
	v23 =	vmul.f32 v25, v23;
	v10 =	vld [tilespmem:s3+$0xFFFFFFC0]  }
0x8e: {  	v16 =	vmul.f32 v16, v24;
	v25 =	vld [tilespmem:s3+$0xFFFFFF10];
	v24 =	vmul.f32 v26, v13  }
0x8f: {  	v11 =	vadd.f32 v11, v14;
	v14 =	vsub.f32 v18, v15;
	v30 =	vld [tilespmem:s3+$0xFFFFFF50];
	v15 =	vmul.f32 v27, v20  }
0x90: {  	v18 =	vadd.f32 v29, v19;
	v12 =	vsub.f32 v12, v17;
	v17 =	vmul.f32 v27, v13;
	v31 =	vld [tilespmem:s3+$0xFFFFFF90]  }
0x91: {  	v21 =	vadd.f32 v22, v21;
	v16 =	vsub.f32 v23, v16;
	v20 =	vmul.f32 v26, v20;
	v19 =	vld [tilespmem:s3+$0xFFFFFFD0]  }
0x92: {  	v22 =	vmul.f32 v11, v1;
	v23 =	vmul.f32 v14, v2;
	v11 =	vadd.f32 v15, v24;
	v13 =	vld [tilespmem:s3+$0xFFFFFF20]  }
0x93: {  	v12 =	vmul.f32 v12, v7;
	v24 =	vmul.f32 v18, v8;
	v17 =	vsub.f32 v17, v20;
	v14 =	vld [tilespmem:s3+$0xFFFFFF60]  }
0x94: {  	v20 =	vmul.f32 v21, v4;
	v21 =	vmul.f32 v16, v6;
	v15 =	vld [tilespmem:s3+$0xFFFFFFA0]  }
0x95: {  	v26 =	vmul.f32 v11, v3;
	v27 =	vmul.f32 v17, v5;
	v18 =	vld [tilespmem:s3+$0xFFFFFFE0]  }
.Ltmp0:
0x96: {  	v23 =	vadd.f32 v23, v22;
	v11 =	vmul.f32 v10, v28;
	v29 =	vadd.f32 v12, v24;
	v16 =	vld [tilespmem:s3+$0xFFFFFF30];
	(pc) =	sbr.rel @p1 .LBB2_3-.Ltmp0, $4  }
0x97: {  	v12 =	vmul.f32 v9, v28;
	v20 =	vadd.f32 v21, v20;
	v26 =	vadd.f32 v27, v26;
	v17 =	vld [tilespmem:s3+$0xFFFFFF70]  }
0x98: {  	v27 =	vmul.f32 v31, v25;
	v28 =	vmul.f32 v19, v30;
	v22 =	vld [tilespmem:s3+$0xFFFFFFB0]  }
0x99: {  	v24 =	vmul.f32 v19, v25;
	v19 =	vadd.f32 v29, v23;
	v20 =	vadd.f32 v26, v20;
	v21 =	vld [tilespmem:s3+$0xFFFFFFF0]  }
0x9a: {  	v26 =	vmul.f32 v31, v30;
	v27 =	vadd.f32 v28, v27;
	v25 =	vmul.f32 v15, v13;
	v23 =	vld [tilespmem:s3+$0xFFFFFF00];
	s3 =	sadd.s32 $0x200, s3  }
0x9b: {  	v28 =	vmul.f32 v18, v14  }
0x9c: {  	v13 =	vmul.f32 v18, v13;
	v14 =	vmul.f32 v15, v14  }
0x9d: {  	v8 =	vmul.f32 v27, v8;
	v18 =	vsub.f32 v24, v26;
	v15 =	vmul.f32 v22, v16  }
0x9e: {  	v22 =	vmul.f32 v22, v17;
	v17 =	vmul.f32 v21, v17  }
0x9f: {  	v24 =	vadd.f32 v28, v25;
	v16 =	vmul.f32 v21, v16;
	v7 =	vmul.f32 v18, v7  }
0xa0: {  	v13 =	vsub.f32 v13, v14;
	v9 =	vmul.f32 v9, v23;
	v10 =	vmul.f32 v10, v23  }
0xa1: {  	v4 =	vmul.f32 v24, v4;
	v14 =	vadd.f32 v17, v15;
	v15 =	vsub.f32 v16, v22  }
0xa2: {  	v6 =	vmul.f32 v13, v6;
	v9 =	vadd.f32 v11, v9;
	v10 =	vsub.f32 v10, v12  }
0xa3: {  	v3 =	vmul.f32 v14, v3;
	v5 =	vmul.f32 v15, v5  }
0xa4: {  	v1 =	vmul.f32 v9, v1;
	v2 =	vmul.f32 v10, v2  }
0xa5: {  	v7 =	vadd.f32 v7, v8;
	v4 =	vadd.f32 v6, v4  }
0xa6: {  	v1 =	vadd.f32 v2, v1;
	v2 =	vadd.f32 v5, v3;
	_ =	sdelay $0x1  }
0xa7: {  	v1 =	vadd.f32 v7, v1;
	v2 =	vadd.f32 v2, v4  }
0xa8: {  	s0 =	sadd.s32 s5, s0;
	s2 =	sshll.u32 s26, $0x5;
	v3 =	vadd.f32 v20, v19  }
0xa9: {  	s3 =	sadd.s32 $0x20, s30;
	s0 =	sshll.u32 s0, $0x7;
	s2 =	sand.u32 $0x60, s2;
	v1 =	vadd.f32 v2, v1  }
0xaa: {  	s30 =	sand.u32 $0x7FC00, s0;
	s2 =	sadd.s32 s6, s2;
	[tilespmem:s3+$0x0] =	vst v3  }
0xab: {  	s0 =	sadd.s32 s30, s2;
	[tilespmem:s3+$0xFFFFFFF0] =	vst v1  }
0xac: {  	[hbm4b:s0+s13] =	stream.strided.scatter [tilespmem:s20], [sflag:$0x4], $0x400, s19, s13, $0x38;
	[tilespmem:$0x10C80] =	vst v63  }
0xad: {  	s2 =	sadd.s32 $0x100, s31  }
0xae: {  	[tilespmem:s16], [sflag:$0x2] =	stream.indirect.gather [hbm4b:s1+s13], $0x80, s2, s13, $0xb8;
	[tilespmem:$0x10C80] =	vst v63  }
0xaf: {  	_ =	swait.ge [sflag:s21], $0x4000  }
0xb0: {  	[sflag:s21] =	ssyncset.done $0x0  }
0xb1: {  	s0 =	simm.s32 @!p0 $0x5;
	[sflag:s21] =	ssyncadd.s32 $0xFFFFC000  }
0xb2: {  	_ =	swait.ge @!p0 [sflag:s0], $0x400  }
0xb3: {  	[sflag:s0] =	ssyncset.done @!p0 $0x0  }
0xb4: {  	[sflag:s0] =	ssyncadd.s32 @!p0 $0xFFFFFC00  }
0xb5: {  	v1 =	vld [tilespmem:s29+$0x4480]  }
0xb6: {  	v8 =	vld [tilespmem:s29+$0x4490]  }
0xb7: {  	v4 =	vld [tilespmem:s29+$0x44A0]  }
0xb8: {  	v3 =	vld [tilespmem:s29+$0x44B0]  }
0xb9: {  	v2 =	vld [tilespmem:s29+$0x44C0]  }
0xba: {  	v7 =	vld [tilespmem:s29+$0x44D0]  }
0xbb: {  	v6 =	vld [tilespmem:s29+$0x44E0]  }
0xbc: {  	s3 =	simm.s32 $0xC580;
	v5 =	vld [tilespmem:s29+$0x44F0]  }
0xbd: {  	v9 =	vld [tilespmem:s3+$0x0]  }
0xbe: {  	v10 =	vld [tilespmem:s3+$0x40]  }
0xbf: {  	v11 =	vld [tilespmem:s3+$0x80]  }
0xc0: {  	v12 =	vld [tilespmem:s3+$0xC0]  }
0xc1: {  	v13 =	vld [tilespmem:s3+$0x10]  }
0xc2: {  	v14 =	vld [tilespmem:s3+$0x50]  }
0xc3: {  	v15 =	vld [tilespmem:s3+$0x90]  }
0xc4: {  	v16 =	vld [tilespmem:s3+$0xD0]  }
0xc5: {  	v17 =	vld [tilespmem:s3+$0x20]  }
0xc6: {  	v18 =	vld [tilespmem:s3+$0x60]  }
0xc7: {  	v19 =	vld [tilespmem:s3+$0xA0]  }
0xc8: {  	v20 =	vld [tilespmem:s3+$0xE0]  }
0xc9: {  	v21 =	vld [tilespmem:s3+$0x30]  }
0xca: {  	v22 =	vld [tilespmem:s3+$0x70]  }
0xcb: {  	v23 =	vld [tilespmem:s3+$0xB0]  }
0xcc: {  	v24 =	vld [tilespmem:s3+$0xF0]  }
0xcd: {  	v25 =	vld [tilespmem:s3+$0xFFFFFF40]  }
0xce: {  	v26 =	vld [tilespmem:s3+$0xFFFFFF80]  }
0xcf: {  	v27 =	vld [tilespmem:s3+$0xFFFFFFC0]  }
0xd0: {  	v29 =	vld [tilespmem:s3+$0xFFFFFF10];
	v28 =	vmul.f32 v11, v9  }
0xd1: {  	v31 =	vld [tilespmem:s3+$0xFFFFFF90];
	v30 =	vmul.f32 v12, v10;
	v9 =	vmul.f32 v12, v9  }
0xd2: {  	v33 =	vld [tilespmem:s3+$0xFFFFFF20];
	v10 =	vmul.f32 v11, v10;
	v11 =	vmul.f32 v15, v13  }
0xd3: {  	v35 =	vld [tilespmem:s3+$0xFFFFFFA0];
	v32 =	vmul.f32 v16, v14;
	v13 =	vmul.f32 v16, v13  }
0xd4: {  	s31 =	simm.s32 $0xC780;
	v44 =	vld [tilespmem:s3+$0xFFFFFFE0];
	v14 =	vmul.f32 v15, v14;
	v15 =	vmul.f32 v19, v17  }
0xd5: {  	v46 =	vld [tilespmem:s31+$0x40];
	v34 =	vmul.f32 v20, v18;
	v17 =	vmul.f32 v20, v17  }
0xd6: {  	v48 =	vld [tilespmem:s31+$0x10];
	v18 =	vmul.f32 v19, v18;
	v19 =	vmul.f32 v23, v21  }
0xd7: {  	v12 =	vld [tilespmem:s3+$0xFFFFFF50];
	v36 =	vmul.f32 v27, v25;
	v28 =	vadd.f32 v30, v28;
	v9 =	vsub.f32 v9, v10  }
0xd8: {  	v16 =	vld [tilespmem:s3+$0xFFFFFFD0];
	v10 =	vmul.f32 v24, v22;
	v11 =	vadd.f32 v32, v11;
	v13 =	vsub.f32 v13, v14  }
0xd9: {  	v20 =	vld [tilespmem:s3+$0xFFFFFF60];
	v14 =	vmul.f32 v24, v21;
	v17 =	vsub.f32 v17, v18;
	v18 =	vmul.f32 v23, v22  }
0xda: {  	v49 =	vld [tilespmem:s31+$0x50];
	v15 =	vadd.f32 v34, v15;
	v23 =	vmul.f32 v28, v1;
	v9 =	vmul.f32 v9, v2  }
0xdb: {  	v50 =	vld [tilespmem:s31+$0x90];
	v11 =	vmul.f32 v11, v8;
	v13 =	vmul.f32 v13, v7  }
0xdc: {  	v21 =	vld [tilespmem:s3+$0xFFFFFF30];
	v10 =	vadd.f32 v10, v19;
	v15 =	vmul.f32 v15, v4;
	v17 =	vmul.f32 v17, v6  }
0xdd: {  	v22 =	vld [tilespmem:s3+$0xFFFFFF70];
	v14 =	vsub.f32 v14, v18;
	v45 =	vmul.f32 v16, v12;
	v16 =	vmul.f32 v16, v29  }
0xde: {  	v19 =	vld [tilespmem:s3+$0xFFFFFFB0];
	v12 =	vmul.f32 v31, v12;
	v47 =	vmul.f32 v44, v20  }
0xdf: {  	v18 =	vld [tilespmem:s3+$0xFFFFFFF0];
	v10 =	vmul.f32 v10, v3;
	v14 =	vmul.f32 v14, v5;
	v9 =	vadd.f32 v9, v23  }
0xe0: {  	v24 =	vld [tilespmem:s3+$0xFFFFFF00];
	v23 =	vmul.f32 v31, v29;
	v11 =	vadd.f32 v13, v11;
	v13 =	vmul.f32 v26, v25  }
0xe1: {  	v28 =	vld [tilespmem:s31+$0x0];
	v15 =	vadd.f32 v17, v15;
	v17 =	vmul.f32 v35, v33;
	v10 =	vadd.f32 v14, v10  }
0xe2: {  	v25 =	vld [tilespmem:s31+$0x80];
	v14 =	vmul.f32 v44, v33;
	v9 =	vadd.f32 v11, v9;
	v11 =	vmul.f32 v35, v20  }
0xe3: {  	v29 =	vld [tilespmem:s31+$0xC0];
	v12 =	vsub.f32 v16, v12;
	v20 =	vmul.f32 v19, v21;
	v16 =	vmul.f32 v19, v22  }
0xe4: {  	v53 =	vld [tilespmem:s31+$0xB0];
	v23 =	vadd.f32 v45, v23;
	v19 =	vmul.f32 v18, v22;
	v18 =	vmul.f32 v18, v21  }
0xe5: {  	v55 =	vld [tilespmem:s31+$0xFFFFFF10];
	v17 =	vadd.f32 v47, v17;
	v21 =	vmul.f32 v26, v24;
	v12 =	vmul.f32 v12, v7  }
0xe6: {  	v22 =	vld [tilespmem:s31+$0xD0];
	v23 =	vmul.f32 v23, v8;
	v11 =	vsub.f32 v14, v11;
	v10 =	vadd.f32 v10, v15  }
0xe7: {  	v26 =	vld [tilespmem:s31+$0x20];
	v14 =	vmul.f32 v27, v24;
	v19 =	vadd.f32 v19, v20;
	v16 =	vsub.f32 v18, v16  }
0xe8: {  	v24 =	vld [tilespmem:s31+$0x70];
	v18 =	vadd.f32 v36, v21;
	v51 =	vmul.f32 v25, v28;
	v52 =	vmul.f32 v29, v46  }
0xe9: {  	v20 =	vld [tilespmem:s31+$0x60];
	v25 =	vmul.f32 v25, v46;
	v13 =	vsub.f32 v14, v13;
	v14 =	vmul.f32 v17, v4  }
0xea: {  	v21 =	vld [tilespmem:s31+$0xA0];
	v11 =	vmul.f32 v11, v6;
	v12 =	vadd.f32 v12, v23;
	v23 =	vmul.f32 v29, v28  }
0xeb: {  	v17 =	vld [tilespmem:s31+$0xE0];
	v27 =	vadd.f32 v10, v9;
	v15 =	vmul.f32 v19, v3;
	v18 =	vmul.f32 v18, v1  }
0xec: {  	v28 =	vld [tilespmem:s31+$0xF0];
	v16 =	vmul.f32 v16, v5;
	v13 =	vmul.f32 v13, v2;
	v11 =	vadd.f32 v11, v14  }
0xed: {  	v19 =	vld [tilespmem:s31+$0x30];
	v14 =	vmul.f32 v50, v48;
	v54 =	vmul.f32 v22, v49;
	v23 =	vsub.f32 v23, v25  }
0xee: {  	v57 =	vld [tilespmem:s31+$0xFFFFFF50];
	v18 =	vadd.f32 v13, v18;
	v13 =	vmul.f32 v22, v48;
	v22 =	vmul.f32 v50, v49  }
0xef: {  	v29 =	vld [tilespmem:s31+$0xFFFFFF40];
	v16 =	vadd.f32 v16, v15;
	v15 =	vmul.f32 v21, v26;
	v23 =	vmul.f32 v23, v2  }
0xf0: {  	v9 =	vld [tilespmem:s31+$0xFFFFFF80];
	v56 =	vadd.f32 v54, v14;
	v26 =	vmul.f32 v17, v26;
	v17 =	vmul.f32 v17, v20  }
0xf1: {  	v10 =	vld [tilespmem:s31+$0xFFFFFFC0];
	v20 =	vmul.f32 v21, v20;
	v21 =	vadd.f32 v52, v51;
	v14 =	vmul.f32 v28, v24  }
0xf2: {  	v60 =	vadd.f32 v16, v11;
	v16 =	vld [tilespmem:s31+$0xFFFFFF30];
	v25 =	vmul.f32 v53, v19;
	v22 =	vsub.f32 v13, v22  }
0xf3: {  	v19 =	vmul.f32 v28, v19;
	v28 =	vld [tilespmem:s31+$0xFFFFFF90];
	v17 =	vadd.f32 v17, v15;
	v15 =	vmul.f32 v53, v24  }
0xf4: {  	v13 =	vld [tilespmem:s31+$0xFFFFFF20];
	v20 =	vsub.f32 v26, v20;
	v21 =	vmul.f32 v21, v1;
	v24 =	vadd.f32 v14, v25  }
0xf5: {  	v26 =	vld [tilespmem:s31+$0xFFFFFFD0];
	v25 =	vmul.f32 v56, v8;
	v22 =	vmul.f32 v22, v7;
	v19 =	vsub.f32 v19, v15  }
0xf6: {  	v58 =	vadd.f32 v12, v18;
	v18 =	vld [tilespmem:s31+$0xFFFFFFE0];
	v59 =	vmul.f32 v17, v4;
	v20 =	vmul.f32 v20, v6  }
0xf7: {  	v15 =	vld [tilespmem:s31+$0xFFFFFFA0];
	v24 =	vmul.f32 v24, v3;
	v19 =	vmul.f32 v19, v5  }
0xf8: {  	v11 =	vmul.f32 v10, v29;
	v14 =	vld [tilespmem:s31+$0xFFFFFF60];
	v61 =	vadd.f32 v23, v21;
	v22 =	vadd.f32 v22, v25  }
0xf9: {  	v12 =	vmul.f32 v9, v29;
	v17 =	vld [tilespmem:s31+$0xFFFFFF70];
	v20 =	vadd.f32 v20, v59;
	v25 =	vadd.f32 v19, v24  }
0xfa: {  	s29 =	simm.s32 $0x10890;
	v29 =	vadd.f32 v60, v58;
	v23 =	vld [tilespmem:s31+$0xFFFFFFB0];
	v62 =	vmul.f32 v28, v55;
	v63 =	vmul.f32 v26, v57  }
0xfb: {  	[tilespmem:s29+$0x0] =	vst v27;
	v21 =	vld [tilespmem:s31+$0xFFFFFFF0];
	v24 =	vmul.f32 v26, v55;
	v19 =	vadd.f32 v22, v61;
	v20 =	vadd.f32 v25, v20  }
0xfc: {  	s2 =	simm.s32 $0xC980;
	s0 =	simm.s32 $0x2;
	[tilespmem:s29+$0xFFFFFFF0] =	vst v29;
	v22 =	vld [tilespmem:s31+$0xFFFFFF00];
	v26 =	vmul.f32 v28, v57;
	v27 =	vadd.f32 v63, v62;
	v25 =	vmul.f32 v15, v13  }
.LBB2_5:
0xfd: {  	v28 =	vld [tilespmem:s2+$0x0];
	v29 =	vmul.f32 v18, v14;
	v13 =	vmul.f32 v18, v13;
	v18 =	vadd.f32 v20, v19  }
0xfe: {  	v14 =	vmul.f32 v15, v14;
	s29 =	sadd.s32 $0x20, s29;
	v19 =	vld [tilespmem:s2+$0x40];
	v20 =	vsub.f32 v24, v26;
	v24 =	vmul.f32 v27, v8  }
0xff: {  	v15 =	vld [tilespmem:s2+$0x80];
	v25 =	vadd.f32 v29, v25;
	v26 =	vmul.f32 v23, v16;
	v23 =	vmul.f32 v23, v17;
	[tilespmem:s29+$0x0] =	vst v18  }
0x100: {  	v13 =	vsub.f32 v13, v14;
	v18 =	vld [tilespmem:s2+$0xC0];
	v14 =	vmul.f32 v21, v17;
	v16 =	vmul.f32 v21, v16  }
0x101: {  	v17 =	vld [tilespmem:s2+$0x10];
	v9 =	vmul.f32 v9, v22;
	v10 =	vmul.f32 v10, v22  }
0x102: {  	v20 =	vmul.f32 v20, v7;
	v21 =	vld [tilespmem:s2+$0x50];
	v14 =	vadd.f32 v14, v26;
	v16 =	vsub.f32 v16, v23  }
0x103: {  	v22 =	vld [tilespmem:s2+$0x90];
	v9 =	vadd.f32 v11, v9;
	v10 =	vsub.f32 v10, v12;
	v11 =	vmul.f32 v25, v4  }
0x104: {  	v13 =	vmul.f32 v13, v6;
	v20 =	vadd.f32 v20, v24;
	v12 =	vld [tilespmem:s2+$0xD0];
	v14 =	vmul.f32 v14, v3  }
0x105: {  	v23 =	vld [tilespmem:s2+$0x20];
	v9 =	vmul.f32 v9, v1;
	v10 =	vmul.f32 v10, v2  }
0x106: {  	v11 =	vadd.f32 v13, v11;
	v13 =	vmul.f32 v16, v5;
	v24 =	vld [tilespmem:s2+$0x60]  }
0x107: {  	v16 =	vld [tilespmem:s2+$0xA0];
	v9 =	vadd.f32 v10, v9  }
0x108: {  	v10 =	vadd.f32 v13, v14;
	v25 =	vld [tilespmem:s2+$0xE0]  }
0x109: {  	v13 =	vld [tilespmem:s2+$0x30];
	v9 =	vadd.f32 v20, v9  }
0x10a: {  	v14 =	vmul.f32 v15, v28;
	v10 =	vadd.f32 v10, v11;
	v20 =	vld [tilespmem:s2+$0x70]  }
0x10b: {  	v11 =	vmul.f32 v18, v19;
	v18 =	vmul.f32 v18, v28;
	v26 =	vld [tilespmem:s2+$0xB0]  }
0x10c: {  	v15 =	vmul.f32 v15, v19;
	v19 =	vmul.f32 v22, v17;
	v10 =	vadd.f32 v10, v9;
	v27 =	vld [tilespmem:s2+$0xF0]  }
0x10d: {  	v29 =	vmul.f32 v12, v21;
	v12 =	vmul.f32 v12, v17;
	v28 =	vld [tilespmem:s2+$0xFFFFFF40]  }
0x10e: {  	s0 =	sadd.s32 $0x2, s0;
	v17 =	vmul.f32 v22, v21;
	v21 =	vmul.f32 v16, v23;
	v9 =	vld [tilespmem:s2+$0xFFFFFF80];
	[tilespmem:s29+$0xFFFFFFF0] =	vst v10  }
0x10f: {  	p0 =	slt.u32 s0, $0x3E;
	v22 =	vmul.f32 v25, v24;
	v23 =	vmul.f32 v25, v23;
	v10 =	vld [tilespmem:s2+$0xFFFFFFC0]  }
0x110: {  	v16 =	vmul.f32 v16, v24;
	v25 =	vld [tilespmem:s2+$0xFFFFFF10];
	v24 =	vmul.f32 v26, v13  }
0x111: {  	v11 =	vadd.f32 v11, v14;
	v14 =	vsub.f32 v18, v15;
	v30 =	vld [tilespmem:s2+$0xFFFFFF50];
	v15 =	vmul.f32 v27, v20  }
0x112: {  	v18 =	vadd.f32 v29, v19;
	v12 =	vsub.f32 v12, v17;
	v17 =	vmul.f32 v27, v13;
	v31 =	vld [tilespmem:s2+$0xFFFFFF90]  }
0x113: {  	v21 =	vadd.f32 v22, v21;
	v16 =	vsub.f32 v23, v16;
	v20 =	vmul.f32 v26, v20;
	v19 =	vld [tilespmem:s2+$0xFFFFFFD0]  }
0x114: {  	v22 =	vmul.f32 v11, v1;
	v23 =	vmul.f32 v14, v2;
	v11 =	vadd.f32 v15, v24;
	v13 =	vld [tilespmem:s2+$0xFFFFFF20]  }
0x115: {  	v12 =	vmul.f32 v12, v7;
	v24 =	vmul.f32 v18, v8;
	v17 =	vsub.f32 v17, v20;
	v14 =	vld [tilespmem:s2+$0xFFFFFF60]  }
0x116: {  	v20 =	vmul.f32 v21, v4;
	v21 =	vmul.f32 v16, v6;
	v15 =	vld [tilespmem:s2+$0xFFFFFFA0]  }
0x117: {  	v26 =	vmul.f32 v11, v3;
	v27 =	vmul.f32 v17, v5;
	v18 =	vld [tilespmem:s2+$0xFFFFFFE0]  }
.Ltmp1:
0x118: {  	v22 =	vadd.f32 v23, v22;
	v11 =	vmul.f32 v10, v28;
	v29 =	vadd.f32 v12, v24;
	v16 =	vld [tilespmem:s2+$0xFFFFFF30];
	(pc) =	sbr.rel @p0 .LBB2_5-.Ltmp1, $4  }
0x119: {  	v12 =	vmul.f32 v9, v28;
	v20 =	vadd.f32 v21, v20;
	v26 =	vadd.f32 v27, v26;
	v17 =	vld [tilespmem:s2+$0xFFFFFF70]  }
0x11a: {  	v27 =	vmul.f32 v31, v25;
	v28 =	vmul.f32 v19, v30;
	v23 =	vld [tilespmem:s2+$0xFFFFFFB0]  }
0x11b: {  	v24 =	vmul.f32 v19, v25;
	v19 =	vadd.f32 v29, v22;
	v20 =	vadd.f32 v26, v20;
	v21 =	vld [tilespmem:s2+$0xFFFFFFF0]  }
0x11c: {  	v26 =	vmul.f32 v31, v30;
	v27 =	vadd.f32 v28, v27;
	v25 =	vmul.f32 v15, v13;
	v22 =	vld [tilespmem:s2+$0xFFFFFF00];
	s2 =	sadd.s32 $0x200, s2  }
0x11d: {  	v28 =	vmul.f32 v18, v14  }
0x11e: {  	v13 =	vmul.f32 v18, v13;
	v55 =	vmul.f32 v15, v14  }
0x11f: {  	v8 =	vmul.f32 v27, v8;
	v57 =	vsub.f32 v24, v26;
	v56 =	vmul.f32 v23, v16  }
0x120: {  	v58 =	vmul.f32 v23, v17;
	v59 =	vmul.f32 v21, v17  }
0x121: {  	v60 =	vadd.f32 v28, v25;
	v61 =	vmul.f32 v21, v16;
	v7 =	vmul.f32 v57, v7  }
0x122: {  	v13 =	vsub.f32 v13, v55;
	v9 =	vmul.f32 v9, v22;
	v10 =	vmul.f32 v10, v22  }
0x123: {  	v4 =	vmul.f32 v60, v4;
	v62 =	vadd.f32 v59, v56;
	v63 =	vsub.f32 v61, v58  }
0x124: {  	v6 =	vmul.f32 v13, v6;
	v9 =	vadd.f32 v11, v9;
	v10 =	vsub.f32 v10, v12  }
0x125: {  	v3 =	vmul.f32 v62, v3;
	v5 =	vmul.f32 v63, v5  }
0x126: {  	v1 =	vmul.f32 v9, v1;
	v2 =	vmul.f32 v10, v2  }
0x127: {  	v7 =	vadd.f32 v7, v8;
	v4 =	vadd.f32 v6, v4  }
0x128: {  	v1 =	vadd.f32 v2, v1;
	v2 =	vadd.f32 v5, v3  }
0x129: {  	s26 =	sadd.s32 $0x1, s26  }
0x12a: {  	p0 =	sne.s32 s26, $0x40;
	v1 =	vadd.f32 v7, v1;
	v2 =	vadd.f32 v2, v4  }
.Ltmp2:
0x12b: {  	s0 =	sshll.u32 s28, $0x4;
	v3 =	vadd.f32 v20, v19;
	(pc) =	sbr.rel @p0 .LBB2_2-.Ltmp2, $4  }
0x12c: {  	s2 =	sadd.s32 $0x20, s29;
	s0 =	sand.u32 $0x70, s0;
	v1 =	vadd.f32 v2, v1  }
0x12d: {  	s0 =	sadd.s32 s6, s0;
	[tilespmem:s2+$0x0] =	vst v3  }
0x12e: {  	s0 =	sadd.s32 s30, s0;
	[tilespmem:s2+$0xFFFFFFF0] =	vst v1  }
0x12f: {  	[hbm4b:s0+s13] =	stream.strided.scatter [tilespmem:s22], [sflag:$0x5], $0x400, s19, s13, $0x38;
	[tilespmem:$0x10C80] =	vst v63  }
0x130: {  	_ =	swait.ge [sflag:s23], $0x400  }
0x131: {  	[sflag:s23] =	ssyncset.done $0x0  }
0x132: {  	s25 =	sadd.s32 $0x1, s25;
	[sflag:s23] =	ssyncadd.s32 $0xFFFFFC00  }
0x133: {  	p0 =	sne.s32 s25, s10;
	_ =	swait.ge [sflag:s24], $0x400  }
.Ltmp3:
0x134: {  	[sflag:s24] =	ssyncset.done $0x0;
	(pc) =	sbr.rel @p0 .LBB2_1-.Ltmp3, $4  }
0x135: {  	[sflag:s24] =	ssyncadd.s32 $0xFFFFFC00  }
0x136: {  	_ =	swait.ge [sflag:s18], $0x4000  }
0x137: {  	[sflag:s18] =	ssyncset.done $0x0  }
0x138: {  	[sflag:s18] =	ssyncadd.s32 $0xFFFFC000  }
0x139: {  	_ =	sfence.sel $0x180000  }
0x13a: {  	[bflag:$0x0] =	sbarrier.arrive $0xFFFF  }
0x13b: {  	_ =	strace $0x90000047  }
0x13c: {  	s0 =	stileid.u32;
	[bflag:$0x2] =	sbarrier.arrive $0xFFFF  }
0x13d: {  	p0 =	sne.s32 s0, $0x0;
	s0 =	rddreg [dreg:$0x4]  }
0x13e: {  	s0 =	sadd.s32 @!p0 $0x100000, s0  }
0x13f: {  	[sflag:s0] =	ssyncadd.tile.s32 @!p0 $0x1;
	_ =	shalt  }
.Lfunc_end2:
_tile_overlayer_lowered:
.L_overlay_start_2:
0x140: {  	(tag) =	ssettag $0x2  }
0x141: {  	s0 =	rddreg [dreg:$0x0];
	s2 =	stileid.u32  }
0x142: {  	s1 =	rddreg [dreg:$0x1];
	p0 =	sne.s32 s2, $0x0  }
0x143: {  	s3 =	rddreg [dreg:$0x2];
	[bflag:$0x3] =	sbarrier.arrive $0xFFFF;
	s2 =	simm.s32 @!p0 $0x1C06  }
0x144: {  	[timem:s3], [sflag:s2] =	dma.local @!p0 [hbm:s0], s1  }
0x145: {  	s0 =	simm.s32 @!p0 $0x6  }
0x146: {  	_ =	swait.ge @!p0 [sflag:s0], s1  }
0x147: {  	s1 =	ssub.s32 @!p0 $0x0, s1;
	[sflag:s0] =	ssyncset.done @!p0 $0x0  }
0x148: {  	[sflag:s0] =	ssyncadd.s32 @!p0 s1  }
0x149: {  	[bflag:$0x3] =	sbarrier.arrive $0xFFFF  }
0x14a: {  	_ =	shalt  }

</sc_bundles>
